<compile_context>
chip_gen: v7x
topology: tpu7x:2x2x1
jax: 0.10.2.dev20260603
libtpu: 0.0.44.dev20260713+nightly
codegen_flags: <defaults>
</compile_context>

<pallas_src>
import functools

import jax
import jax.numpy as jnp
from jax import lax
from jax.experimental import pallas as pl
from jax.experimental.pallas import tpu as pltpu
from jax.experimental.pallas import tpu_sc as plsc

EPS = 0.01
BS, C, H, W = 8, 32, 256, 256
N = H * W
NC, NS, L = 2, 16, 16
CH = C // NC
CHUNK = N // NS
SUB = 1024
NSUB = CHUNK // SUB
PB = 2048


def _proj_body(xp0_ref, xp1_ref, xp2_ref, alpha_ref, idx_ref, w_ref):
    ni = lax.broadcasted_iota(jnp.int32, (1, N), 1)
    xyp0 = xp0_ref[0]
    xyp1 = xp1_ref[0]
    xyp2 = xp2_ref[0]
    mask = jnp.abs(xyp2) < EPS
    zs = jnp.where(mask, EPS, xyp2)
    s0 = xyp0 / zs / float(W - 1) * 2.0 - 1.0
    s1 = xyp1 / zs / float(H - 1) * 2.0 - 1.0
    s0 = jnp.where(mask, -10.0, s0)
    s1 = jnp.where(mask, -10.0, s1)
    s2 = jnp.where(mask, -10.0, xyp2)
    fx = (s0 + 1.0) * 0.5 * (W - 1)
    fy = (s1 + 1.0) * 0.5 * (H - 1)
    xi = jnp.clip(jnp.round(fx), 0, W - 1).astype(jnp.int32)
    yi = jnp.clip(jnp.round(fy), 0, H - 1).astype(jnp.int32)
    valid = ((fx >= -0.5) & (fx <= W - 0.5) & (fy >= -0.5) & (fy <= H - 0.5)
             & (s2 > 0.5 * EPS))
    wgt = alpha_ref[0] * valid.astype(jnp.float32) / jnp.maximum(s2, EPS)
    idx = yi * W + xi
    idx_ref[0] = jnp.where(valid, idx, ni)
    w_ref[0] = jnp.where(valid, wgt, 0.0)


def _project(xp0, xp1, xp2, al):
    vvec = pl.BlockSpec((1, 1, N), lambda b: (b, 0, 0))
    return pl.pallas_call(
        _proj_body,
        grid=(BS,),
        in_specs=[vvec, vvec, vvec, vvec],
        out_specs=[vvec, vvec],
        out_shape=[jax.ShapeDtypeStruct((BS, 1, N), jnp.int32),
                   jax.ShapeDtypeStruct((BS, 1, N), jnp.float32)],
    )(xp0, xp1, xp2, al)


def _scatter_body(idx_hbm, w_hbm, src_hbm, out_hbm,
                  acc_sh, den_sh, idx_v, w_v, ft_v, upd_v, tz_v, zd_v, sem):
    c = lax.axis_index("c")
    s = lax.axis_index("s")
    base = s * CHUNK
    z16 = jnp.zeros((L,), jnp.float32)

    def zinit(i, _):
        tz_v[i, :] = z16
        return 0
    lax.fori_loop(0, SUB, zinit, 0)

    def zdinit(i, _):
        zd_v[pl.ds(i * L, L)] = z16
        return 0
    lax.fori_loop(0, CHUNK // L, zdinit, 0)

    rows16 = lax.broadcasted_iota(jnp.int32, (L,), 0)
    colv = [jnp.full((L,), ch, jnp.int32) for ch in range(CH)]

    def batch_body(b, _):
        def zslice(jz, _):
            pltpu.sync_copy(tz_v, acc_sh.at[pl.ds(base + jz * SUB, SUB)])
            return 0
        lax.fori_loop(0, NSUB, zslice, 0)
        pltpu.sync_copy(zd_v, den_sh.at[pl.ds(base, CHUNK)])
        plsc.subcore_barrier()

        def jloop(j, _):
            jm = j & 1
            pltpu.sync_copy(idx_hbm.at[b, s, j], idx_v.at[jm])
            pltpu.sync_copy(w_hbm.at[b, s, j], w_v)
            pltpu.sync_copy(src_hbm.at[b, c, :, s, j], ft_v)

            @pl.when(j > 0)
            def _():
                pltpu.make_async_copy(
                    upd_v, acc_sh.at[idx_v.at[jm]], sem).wait()

            def grp(g, _):
                wv = w_v[pl.ds(g * L, L)]
                rows = rows16 + g * L
                for ch in range(CH):
                    val = ft_v[ch, pl.ds(g * L, L)] * wv
                    plsc.store_scatter(upd_v, (rows, colv[ch]), val)
                return 0
            lax.fori_loop(0, SUB // L, grp, 0)

            pltpu.async_copy(upd_v, acc_sh.at[idx_v.at[jm]], sem, add=True)
            pltpu.sync_copy(w_v, den_sh.at[idx_v.at[jm]], add=True)
            return 0
        lax.fori_loop(0, NSUB, jloop, 0)

        pltpu.make_async_copy(upd_v, acc_sh.at[pl.ds(base, SUB)], sem).wait()
        plsc.subcore_barrier()

        pltpu.sync_copy(den_sh.at[pl.ds(base, CHUNK)], zd_v)

        def uloop(u, _):
            pltpu.sync_copy(acc_sh.at[pl.ds(base + u * SUB, SUB)], tz_v)

            def tgrp(g, _):
                dv = zd_v[pl.ds(u * SUB + g * L, L)]
                rec = 1.0 / (dv + 1e-8)
                rows = rows16 + g * L
                for ch in range(CH):
                    av = plsc.load_gather(tz_v, (rows, colv[ch]))
                    ft_v[ch, pl.ds(g * L, L)] = av * rec
                return 0
            lax.fori_loop(0, SUB // L, tgrp, 0)

            handles = [pltpu.async_copy(
                ft_v.at[ch], out_hbm.at[b, c, ch, s, pl.ds(u * SUB, SUB)],
                sem) for ch in range(CH)]
            for h in handles:
                h.wait()
            return 0
        lax.fori_loop(0, NSUB, uloop, 0)

        def rz(i, _):
            tz_v[i, :] = z16
            return 0
        lax.fori_loop(0, SUB, rz, 0)

        def rzd(i, _):
            zd_v[pl.ds(i * L, L)] = z16
            return 0
        lax.fori_loop(0, CHUNK // L, rzd, 0)
        plsc.subcore_barrier()
        return 0

    lax.fori_loop(0, BS, batch_body, 0)


def _scatter(idx_r, w_r, src_r):
    mesh = plsc.VectorSubcoreMesh(core_axis_name="c", subcore_axis_name="s")
    f = pl.kernel(
        _scatter_body,
        out_type=jax.ShapeDtypeStruct((BS, NC, CH, NS, CHUNK), jnp.float32),
        mesh=mesh,
        compiler_params=pltpu.CompilerParams(
            needs_layout_passes=False,
            use_tc_tiling_on_sc=False,
        ),
        scratch_types=[
            pltpu.VMEM_SHARED((N, CH), jnp.float32),
            pltpu.VMEM_SHARED((N,), jnp.float32),
            pltpu.VMEM((2, SUB), jnp.int32),
            pltpu.VMEM((SUB,), jnp.float32),
            pltpu.VMEM((CH, SUB), jnp.float32),
            pltpu.VMEM((SUB, CH), jnp.float32),
            pltpu.VMEM((SUB, CH), jnp.float32),
            pltpu.VMEM((CHUNK,), jnp.float32),
            pltpu.SemaphoreType.DMA,
        ],
    )
    return f(idx_r, w_r, src_r)


def kernel(alphas, src, pred_pts, K, K_inv, RT_cam1, RTinv_cam1, RT_cam2,
           RTinv_cam2):
    pred = pred_pts.reshape(BS, 1, N)
    al = alphas.reshape(BS, 1, N)
    xs = jnp.arange(W, dtype=jnp.float32)
    ys = jnp.arange(H, dtype=jnp.float32)
    xs_g = jnp.broadcast_to(xs.reshape(1, 1, 1, W), (1, 1, H, W))
    ys_g = jnp.broadcast_to(ys.reshape(1, 1, H, 1), (1, 1, H, W))
    ones = jnp.ones((1, 1, H, W), dtype=jnp.float32)
    xyzs = jnp.concatenate([xs_g, ys_g, ones, ones], axis=1).reshape(1, 4, -1)
    proj = xyzs * pred
    proj = proj.at[:, -1, :].set(1.0)
    cam1_X = jnp.einsum('bij,bjn->bin', K_inv, proj)
    wrld_X = jnp.einsum('bij,bjn->bin', RT_cam1, cam1_X)
    new_coors = jnp.einsum('bij,bjn->bin', RTinv_cam2, wrld_X)
    xy_proj = jnp.einsum('bij,bjn->bin', K, new_coors)
    idx_all, w_all = _project(xy_proj[:, 0:1, :], xy_proj[:, 1:2, :],
                              xy_proj[:, 2:3, :], al)
    src_r = src.reshape(BS, NC, CH, NS, NSUB, SUB)
    idx_r = idx_all.reshape(BS, NS, NSUB, SUB)
    w_r = w_all.reshape(BS, NS, NSUB, SUB)
    out = _scatter(idx_r, w_r, src_r)
    return out.reshape(BS, C, H, W)

# --- scband reference (transcript-rebuilt; emitter-appended) ---
"""Pipeline reference for scband-pts-manipulator-88948772700332 (READ-ONLY COPY).

The authoritative reference and input builder live on the scoring server;
editing this copy changes nothing except your own understanding.
"""

import jax, jax.numpy as jnp
import numpy as np

EPS = 0.01
BS, C, H, W = 8, 32, 256, 256

def setup_inputs(seed: int = 0):
    key = jax.random.key(seed)
    ks = jax.random.split(key, 9)
    return {
        "alphas": jax.random.uniform(ks[0], (BS, 1, H, W), dtype=jnp.float32),
        "src": jax.random.normal(ks[1], (BS, C, H, W), dtype=jnp.float32),
        "pred_pts": jax.random.uniform(ks[2], (BS, 1, H, W), dtype=jnp.float32),
        "K": jax.random.normal(ks[3], (BS, 4, 4), dtype=jnp.float32),
        "K_inv": jax.random.normal(ks[4], (BS, 4, 4), dtype=jnp.float32),
        "RT_cam1": jax.random.normal(ks[5], (BS, 4, 4), dtype=jnp.float32),
        "RTinv_cam1": jax.random.normal(ks[6], (BS, 4, 4), dtype=jnp.float32),
        "RT_cam2": jax.random.normal(ks[7], (BS, 4, 4), dtype=jnp.float32),
        "RTinv_cam2": jax.random.normal(ks[8], (BS, 4, 4), dtype=jnp.float32),
    }

def _splat(pointcloud, alphas, srcf):
    # pointcloud: [bs, N, 3] with xy in [-1,1] ndc and z depth; alphas: [bs, N, 1]; srcf: [bs, C, N]
    bs = pointcloud.shape[0]
    x = (pointcloud[..., 0] + 1.0) * 0.5 * (W - 1)
    y = (pointcloud[..., 1] + 1.0) * 0.5 * (H - 1)
    z = pointcloud[..., 2]
    xi = jnp.clip(jnp.round(x), 0, W - 1).astype(jnp.int32)
    yi = jnp.clip(jnp.round(y), 0, H - 1).astype(jnp.int32)
    valid = (x >= -0.5) & (x <= W - 0.5) & (y >= -0.5) & (y <= H - 0.5) & (z > 0.5 * EPS)
    wgt = alphas[..., 0] * valid.astype(jnp.float32) / jnp.clip(z, EPS)
    idx = yi * W + xi  # [bs, N]
    feats = srcf.transpose(0, 2, 1)  # [bs, N, C]
    def one(idx_b, w_b, f_b):
        acc = jnp.zeros((H * W, f_b.shape[1]), f_b.dtype).at[idx_b].add(w_b[:, None] * f_b)
        den = jnp.zeros((H * W,), f_b.dtype).at[idx_b].add(w_b)
        return acc / (den[:, None] + 1e-8)
    out = jax.vmap(one)(idx, wgt, feats)  # [bs, H*W, C]
    return out.transpose(0, 2, 1).reshape(bs, -1, H, W)

def reference(alphas, src, pred_pts, K, K_inv, RT_cam1, RTinv_cam1, RT_cam2, RTinv_cam2):
    bs = src.shape[0]
    pred = pred_pts.reshape(bs, 1, -1)
    srcf = src.reshape(bs, C, -1)
    al = alphas.reshape(bs, 1, -1).transpose(0, 2, 1)
    xs = jnp.arange(W, dtype=jnp.float32)
    ys = jnp.arange(H, dtype=jnp.float32)
    xs_g = jnp.broadcast_to(xs.reshape(1, 1, 1, W), (1, 1, H, W))
    ys_g = jnp.broadcast_to(ys.reshape(1, 1, H, 1), (1, 1, H, W))
    ones = jnp.ones((1, 1, H, W), dtype=jnp.float32)
    xyzs = jnp.concatenate([xs_g, ys_g, ones, ones], axis=1).reshape(1, 4, -1)
    proj = xyzs * pred
    proj = proj.at[:, -1, :].set(1.0)
    cam1_X = jnp.einsum('bij,bjn->bin', K_inv, proj)
    wrld_X = jnp.einsum('bij,bjn->bin', RT_cam1, cam1_X)
    new_coors = jnp.einsum('bij,bjn->bin', RTinv_cam2, wrld_X)
    xy_proj = jnp.einsum('bij,bjn->bin', K, new_coors)
    mask = jnp.abs(xy_proj[:, 2:3, :]) < EPS
    zs = jnp.where(mask, EPS, xy_proj[:, 2:3, :])
    sampler = jnp.concatenate([xy_proj[:, 0:2, :] / zs, xy_proj[:, 2:3, :]], axis=1)
    sampler = sampler.at[:, 0, :].set(sampler[:, 0, :] / float(W - 1) * 2 - 1)
    sampler = sampler.at[:, 1, :].set(sampler[:, 1, :] / float(H - 1) * 2 - 1)
    sampler = jnp.where(jnp.broadcast_to(mask, sampler.shape), -10.0, sampler)
    pointcloud = sampler.transpose(0, 2, 1)
    return _splat(pointcloud, al, srcf)

if __name__ == "__main__":
    import jax
    _d = setup_inputs()
    print(jax.jit(kernel)(*tuple(_d.values())))

</pallas_src>

<mosaic_0001>
#map = affine_map<(d0, d1) -> (0, 0, 0, 0)>
#map1 = affine_map<(d0, d1) -> (0, 0, 0, 0, 0, 0)>
#map2 = affine_map<(d0, d1) -> (0, 0, 0, 0, 0)>
module attributes {stable_mosaic.version = 14 : i64} {
  func.func @_scatter_body(%arg0: i32, %arg1: i32, %arg2: memref<8x16x4x1024xi32, #tpu.memory_space<hbm>>, %arg3: memref<8x16x4x1024xf32, #tpu.memory_space<hbm>>, %arg4: memref<8x2x16x16x4x1024xf32, #tpu.memory_space<hbm>>, %arg5: memref<8x2x16x16x4096xf32, #tpu.memory_space<hbm>>, %arg6: memref<65536x16xf32, #tpu.memory_space<vmem_shared>>, %arg7: memref<65536xf32, #tpu.memory_space<vmem_shared>>, %arg8: memref<2x1024xi32, #tpu.memory_space<vmem>>, %arg9: memref<1024xf32, #tpu.memory_space<vmem>>, %arg10: memref<16x1024xf32, #tpu.memory_space<vmem>>, %arg11: memref<1024x16xf32, #tpu.memory_space<vmem>>, %arg12: memref<1024x16xf32, #tpu.memory_space<vmem>>, %arg13: memref<4096xf32, #tpu.memory_space<vmem>>, %arg14: memref<!tpu.dma_semaphore, #tpu.memory_space<semaphore_mem>>) attributes {dimension_semantics = [#tpu.dimension_semantics<core_parallel>, #tpu.dimension_semantics<subcore_parallel>], iteration_bounds = array<i64: 2, 16>, scalar_prefetch = 0 : i64, scratch_operands = 9 : i64, tpu.core_type = #tpu.core_type<sc_vector_subcore>, window_params = [{transform_indices = #map}, {transform_indices = #map}, {transform_indices = #map1}, {transform_indices = #map2}]} {
    %mul3A = arith.constant 4096 : i32
    %mul3A_0 = arith.muli %arg1, %mul3A : i32
    %broadcast_in_dim3A = arith.constant 0.000000e+00 : f32
    %broadcast_in_dim3A_1 = vector.broadcast %broadcast_in_dim3A : f32 to vector<16xf32>
    %scan3A = arith.constant 0 : i32
    %scan3A_2 = arith.constant 0 : i32
    %scan3A_3 = arith.constant 1024 : i32
    %scan3A_4 = arith.addi %scan3A_2, %scan3A_3 : i32
    %scan3A_5 = arith.constant 1 : i32
    %scan3A_6 = scf.for %scan3A_54 = %scan3A_2 to %scan3A_4 step %scan3A_5 iter_args(%scan3A_55 = %scan3A) -> (i32)  : i32 {
      %swap3A = arith.index_cast %scan3A_54 : i32 to index
      %swap3A_56 = arith.constant 0 : index
      %swap3A_57 = tpu.vector_load %arg12[%swap3A, %swap3A_56] {strides = array<i32>} : memref<1024x16xf32, #tpu.memory_space<vmem>>, vector<16xf32>,
      tpu.vector_store %arg12[%swap3A, %swap3A_56], %broadcast_in_dim3A_1 {strides = array<i32>} : memref<1024x16xf32, #tpu.memory_space<vmem>>, vector<16xf32>,
      %scan3A_58 = arith.constant 0 : i32
      scf.yield %scan3A_58 : i32
    }
    %scan3A_7 = arith.constant 1024 : i32
    %scan3A_8 = arith.constant 0 : i32
    %scan3A_9 = arith.constant 0 : i32
    %scan3A_10 = arith.constant 256 : i32
    %scan3A_11 = arith.addi %scan3A_9, %scan3A_10 : i32
    %scan3A_12 = arith.constant 1 : i32
    %scan3A_13 = scf.for %scan3A_54 = %scan3A_9 to %scan3A_11 step %scan3A_12 iter_args(%scan3A_55 = %scan3A_8) -> (i32)  : i32 {
      %mul3A_56 = arith.constant 16 : i32
      %mul3A_57 = arith.muli %scan3A_54, %mul3A_56 : i32
      %swap3A = arith.index_cast %mul3A_57 : i32 to index
      %swap3A_58 = tpu.vector_load %arg13[%swap3A] {strides = array<i32>} : memref<4096xf32, #tpu.memory_space<vmem>>, vector<16xf32>,
      tpu.vector_store %arg13[%swap3A], %broadcast_in_dim3A_1 {strides = array<i32>} : memref<4096xf32, #tpu.memory_space<vmem>>, vector<16xf32>,
      %scan3A_59 = arith.constant 0 : i32
      scf.yield %scan3A_59 : i32
    }
    %scan3A_14 = arith.constant 256 : i32
    %iota3A = tpu.iota {dimensions = array<i32: 0>} : vector<16xi32>
    %broadcast_in_dim3A_15 = arith.constant 0 : i32
    %broadcast_in_dim3A_16 = vector.broadcast %broadcast_in_dim3A_15 : i32 to vector<16xi32>
    %broadcast_in_dim3A_17 = arith.constant 1 : i32
    %broadcast_in_dim3A_18 = vector.broadcast %broadcast_in_dim3A_17 : i32 to vector<16xi32>
    %broadcast_in_dim3A_19 = arith.constant 2 : i32
    %broadcast_in_dim3A_20 = vector.broadcast %broadcast_in_dim3A_19 : i32 to vector<16xi32>
    %broadcast_in_dim3A_21 = arith.constant 3 : i32
    %broadcast_in_dim3A_22 = vector.broadcast %broadcast_in_dim3A_21 : i32 to vector<16xi32>
    %broadcast_in_dim3A_23 = arith.constant 4 : i32
    %broadcast_in_dim3A_24 = vector.broadcast %broadcast_in_dim3A_23 : i32 to vector<16xi32>
    %broadcast_in_dim3A_25 = arith.constant 5 : i32
    %broadcast_in_dim3A_26 = vector.broadcast %broadcast_in_dim3A_25 : i32 to vector<16xi32>
    %broadcast_in_dim3A_27 = arith.constant 6 : i32
    %broadcast_in_dim3A_28 = vector.broadcast %broadcast_in_dim3A_27 : i32 to vector<16xi32>
    %broadcast_in_dim3A_29 = arith.constant 7 : i32
    %broadcast_in_dim3A_30 = vector.broadcast %broadcast_in_dim3A_29 : i32 to vector<16xi32>
    %broadcast_in_dim3A_31 = arith.constant 8 : i32
    %broadcast_in_dim3A_32 = vector.broadcast %broadcast_in_dim3A_31 : i32 to vector<16xi32>
    %broadcast_in_dim3A_33 = arith.constant 9 : i32
    %broadcast_in_dim3A_34 = vector.broadcast %broadcast_in_dim3A_33 : i32 to vector<16xi32>
    %broadcast_in_dim3A_35 = arith.constant 10 : i32
    %broadcast_in_dim3A_36 = vector.broadcast %broadcast_in_dim3A_35 : i32 to vector<16xi32>
    %broadcast_in_dim3A_37 = arith.constant 11 : i32
    %broadcast_in_dim3A_38 = vector.broadcast %broadcast_in_dim3A_37 : i32 to vector<16xi32>
    %broadcast_in_dim3A_39 = arith.constant 12 : i32
    %broadcast_in_dim3A_40 = vector.broadcast %broadcast_in_dim3A_39 : i32 to vector<16xi32>
    %broadcast_in_dim3A_41 = arith.constant 13 : i32
    %broadcast_in_dim3A_42 = vector.broadcast %broadcast_in_dim3A_41 : i32 to vector<16xi32>
    %broadcast_in_dim3A_43 = arith.constant 14 : i32
    %broadcast_in_dim3A_44 = vector.broadcast %broadcast_in_dim3A_43 : i32 to vector<16xi32>
    %broadcast_in_dim3A_45 = arith.constant 15 : i32
    %broadcast_in_dim3A_46 = vector.broadcast %broadcast_in_dim3A_45 : i32 to vector<16xi32>
    %scan3A_47 = arith.constant 0 : i32
    %scan3A_48 = arith.constant 0 : i32
    %scan3A_49 = arith.constant 8 : i32
    %scan3A_50 = arith.addi %scan3A_48, %scan3A_49 : i32
    %scan3A_51 = arith.constant 1 : i32
    %scan3A_52 = scf.for %scan3A_54 = %scan3A_48 to %scan3A_50 step %scan3A_51 iter_args(%scan3A_55 = %scan3A_47) -> (i32)  : i32 {
      %scan3A_56 = arith.constant 0 : i32
      %scan3A_57 = arith.constant 0 : i32
      %scan3A_58 = arith.constant 4 : i32
      %scan3A_59 = arith.addi %scan3A_57, %scan3A_58 : i32
      %scan3A_60 = arith.constant 1 : i32
      %scan3A_61 = scf.for %scan3A_97 = %scan3A_57 to %scan3A_59 step %scan3A_60 iter_args(%scan3A_98 = %scan3A_56) -> (i32)  : i32 {
        %mul3A_99 = arith.constant 1024 : i32
        %mul3A_100 = arith.muli %scan3A_97, %mul3A_99 : i32
        %add3A = arith.addi %mul3A_0, %mul3A_100 : i32
        "tpu.region"() ({
          %run_scoped3A = tpu.sem_alloc : memref<!tpu.dma_semaphore, #tpu.memory_space<semaphore_mem>>
          %dma_start3A = arith.constant 0 : i32
          %dma_start3A_102 = tpu.memref_slice %arg6[%add3A, %dma_start3A] : memref<65536x16xf32, #tpu.memory_space<vmem_shared>> -> memref<1024x16xf32, #tpu.memory_space<vmem_shared>>
          %dma_start3A_103 = arith.constant 0 : i32
          %dma_start3A_104 = tpu.memref_slice %arg6[%add3A, %dma_start3A_103] : memref<65536x16xf32, #tpu.memory_space<vmem_shared>> -> memref<1024x16xf32, #tpu.memory_space<vmem_shared>>
          tpu.enqueue_dma source(%arg12 : memref<1024x16xf32, #tpu.memory_space<vmem>>) target(%dma_start3A_104 : memref<1024x16xf32, #tpu.memory_space<vmem_shared>>) target_semaphore(%run_scoped3A : memref<!tpu.dma_semaphore, #tpu.memory_space<semaphore_mem>>)
          %dma_wait3A_105 = arith.constant 0 : i32
          %dma_wait3A_106 = tpu.memref_slice %arg6[%add3A, %dma_wait3A_105] : memref<65536x16xf32, #tpu.memory_space<vmem_shared>> -> memref<1024x16xf32, #tpu.memory_space<vmem_shared>>
          %dma_wait3A_107 = arith.constant 0 : i32
          %dma_wait3A_108 = tpu.memref_slice %arg6[%add3A, %dma_wait3A_107] : memref<65536x16xf32, #tpu.memory_space<vmem_shared>> -> memref<1024x16xf32, #tpu.memory_space<vmem_shared>>
          tpu.wait_dma2 semaphore(%run_scoped3A : memref<!tpu.dma_semaphore, #tpu.memory_space<semaphore_mem>>) src(%arg12 : memref<1024x16xf32, #tpu.memory_space<vmem>>) dst(%dma_wait3A_108 : memref<1024x16xf32, #tpu.memory_space<vmem_shared>>)
          tpu.yield
        }) : () -> ()
        %scan3A_101 = arith.constant 0 : i32
        scf.yield %scan3A_101 : i32
      }
      %scan3A_62 = arith.constant 4 : i32
      "tpu.region"() ({
        %run_scoped3A = tpu.sem_alloc : memref<!tpu.dma_semaphore, #tpu.memory_space<semaphore_mem>>
        %dma_start3A = tpu.memref_slice %arg7[%mul3A_0] : memref<65536xf32, #tpu.memory_space<vmem_shared>> -> memref<4096xf32, #tpu.memory_space<vmem_shared>>
        %dma_start3A_97 = tpu.memref_slice %arg7[%mul3A_0] : memref<65536xf32, #tpu.memory_space<vmem_shared>> -> memref<4096xf32, #tpu.memory_space<vmem_shared>>
        tpu.enqueue_dma source(%arg13 : memref<4096xf32, #tpu.memory_space<vmem>>) target(%dma_start3A_97 : memref<4096xf32, #tpu.memory_space<vmem_shared>>) target_semaphore(%run_scoped3A : memref<!tpu.dma_semaphore, #tpu.memory_space<semaphore_mem>>)
        %dma_wait3A_98 = tpu.memref_slice %arg7[%mul3A_0] : memref<65536xf32, #tpu.memory_space<vmem_shared>> -> memref<4096xf32, #tpu.memory_space<vmem_shared>>
        %dma_wait3A_99 = tpu.memref_slice %arg7[%mul3A_0] : memref<65536xf32, #tpu.memory_space<vmem_shared>> -> memref<4096xf32, #tpu.memory_space<vmem_shared>>
        tpu.wait_dma2 semaphore(%run_scoped3A : memref<!tpu.dma_semaphore, #tpu.memory_space<semaphore_mem>>) src(%arg13 : memref<4096xf32, #tpu.memory_space<vmem>>) dst(%dma_wait3A_99 : memref<4096xf32, #tpu.memory_space<vmem_shared>>)
        tpu.yield
      }) : () -> ()
      %barrier3A = arith.constant 0 : index
      tpu.barrier barrier_id(%barrier3A)
      %scan3A_63 = arith.constant 0 : i32
      %scan3A_64 = arith.constant 0 : i32
      %scan3A_65 = arith.constant 4 : i32
      %scan3A_66 = arith.addi %scan3A_64, %scan3A_65 : i32
      %scan3A_67 = arith.constant 1 : i32
      %scan3A_68 = scf.for %scan3A_97 = %scan3A_64 to %scan3A_66 step %scan3A_67 iter_args(%scan3A_98 = %scan3A_63) -> (i32)  : i32 {
        %and3A = arith.constant 1 : i32
        %and3A_99 = arith.andi %scan3A_97, %and3A : i32
        "tpu.region"() ({
          %run_scoped3A = tpu.sem_alloc : memref<!tpu.dma_semaphore, #tpu.memory_space<semaphore_mem>>
          %dma_start3A_115 = arith.constant 0 : i32
          %dma_start3A_116 = tpu.memref_slice %arg8[%and3A_99, %dma_start3A_115] : memref<2x1024xi32, #tpu.memory_space<vmem>> -> memref<1x1024xi32, #tpu.memory_space<vmem>>
          %dma_start3A_117 = tpu.memref_squeeze %dma_start3A_116 : memref<1x1024xi32, #tpu.memory_space<vmem>> -> memref<1024xi32, #tpu.memory_space<vmem>>
          %dma_start3A_118 = arith.constant 0 : i32
          %dma_start3A_119 = tpu.memref_slice %arg2[%scan3A_54, %arg1, %scan3A_97, %dma_start3A_118] : memref<8x16x4x1024xi32, #tpu.memory_space<hbm>> -> memref<1x1x1x1024xi32, #tpu.memory_space<hbm>>
          %dma_start3A_120 = tpu.memref_squeeze %dma_start3A_119 : memref<1x1x1x1024xi32, #tpu.memory_space<hbm>> -> memref<1024xi32, #tpu.memory_space<hbm>>
          %dma_start3A_121 = arith.constant 0 : i32
          %dma_start3A_122 = tpu.memref_slice %arg8[%and3A_99, %dma_start3A_121] : memref<2x1024xi32, #tpu.memory_space<vmem>> -> memref<1x1024xi32, #tpu.memory_space<vmem>>
          %dma_start3A_123 = tpu.memref_squeeze %dma_start3A_122 : memref<1x1024xi32, #tpu.memory_space<vmem>> -> memref<1024xi32, #tpu.memory_space<vmem>>
          %dma_start3A_124 = arith.constant 0 : i32
          %dma_start3A_125 = tpu.memref_slice %arg2[%scan3A_54, %arg1, %scan3A_97, %dma_start3A_124] : memref<8x16x4x1024xi32, #tpu.memory_space<hbm>> -> memref<1x1x1x1024xi32, #tpu.memory_space<hbm>>
          %dma_start3A_126 = tpu.memref_squeeze %dma_start3A_125 : memref<1x1x1x1024xi32, #tpu.memory_space<hbm>> -> memref<1024xi32, #tpu.memory_space<hbm>>
          tpu.enqueue_dma source(%dma_start3A_126 : memref<1024xi32, #tpu.memory_space<hbm>>) target(%dma_start3A_123 : memref<1024xi32, #tpu.memory_space<vmem>>) target_semaphore(%run_scoped3A : memref<!tpu.dma_semaphore, #tpu.memory_space<semaphore_mem>>)
          %dma_wait3A_127 = arith.constant 0 : i32
          %dma_wait3A_128 = tpu.memref_slice %arg8[%and3A_99, %dma_wait3A_127] : memref<2x1024xi32, #tpu.memory_space<vmem>> -> memref<1x1024xi32, #tpu.memory_space<vmem>>
          %dma_wait3A_129 = tpu.memref_squeeze %dma_wait3A_128 : memref<1x1024xi32, #tpu.memory_space<vmem>> -> memref<1024xi32, #tpu.memory_space<vmem>>
          %dma_wait3A_130 = arith.constant 0 : i32
          %dma_wait3A_131 = tpu.memref_slice %arg2[%scan3A_54, %arg1, %scan3A_97, %dma_wait3A_130] : memref<8x16x4x1024xi32, #tpu.memory_space<hbm>> -> memref<1x1x1x1024xi32, #tpu.memory_space<hbm>>
          %dma_wait3A_132 = tpu.memref_squeeze %dma_wait3A_131 : memref<1x1x1x1024xi32, #tpu.memory_space<hbm>> -> memref<1024xi32, #tpu.memory_space<hbm>>
          %dma_wait3A_133 = arith.constant 0 : i32
          %dma_wait3A_134 = tpu.memref_slice %arg8[%and3A_99, %dma_wait3A_133] : memref<2x1024xi32, #tpu.memory_space<vmem>> -> memref<1x1024xi32, #tpu.memory_space<vmem>>
          %dma_wait3A_135 = tpu.memref_squeeze %dma_wait3A_134 : memref<1x1024xi32, #tpu.memory_space<vmem>> -> memref<1024xi32, #tpu.memory_space<vmem>>
          %dma_wait3A_136 = arith.constant 0 : i32
          %dma_wait3A_137 = tpu.memref_slice %arg2[%scan3A_54, %arg1, %scan3A_97, %dma_wait3A_136] : memref<8x16x4x1024xi32, #tpu.memory_space<hbm>> -> memref<1x1x1x1024xi32, #tpu.memory_space<hbm>>
          %dma_wait3A_138 = tpu.memref_squeeze %dma_wait3A_137 : memref<1x1x1x1024xi32, #tpu.memory_space<hbm>> -> memref<1024xi32, #tpu.memory_space<hbm>>
          tpu.wait_dma2 semaphore(%run_scoped3A : memref<!tpu.dma_semaphore, #tpu.memory_space<semaphore_mem>>) src(%dma_wait3A_138 : memref<1024xi32, #tpu.memory_space<hbm>>) dst(%dma_wait3A_135 : memref<1024xi32, #tpu.memory_space<vmem>>)
          tpu.yield
        }) : () -> ()
        "tpu.region"() ({
          %run_scoped3A = tpu.sem_alloc : memref<!tpu.dma_semaphore, #tpu.memory_space<semaphore_mem>>
          %dma_start3A_115 = arith.constant 0 : i32
          %dma_start3A_116 = tpu.memref_slice %arg3[%scan3A_54, %arg1, %scan3A_97, %dma_start3A_115] : memref<8x16x4x1024xf32, #tpu.memory_space<hbm>> -> memref<1x1x1x1024xf32, #tpu.memory_space<hbm>>
          %dma_start3A_117 = tpu.memref_squeeze %dma_start3A_116 : memref<1x1x1x1024xf32, #tpu.memory_space<hbm>> -> memref<1024xf32, #tpu.memory_space<hbm>>
          %dma_start3A_118 = arith.constant 0 : i32
          %dma_start3A_119 = tpu.memref_slice %arg3[%scan3A_54, %arg1, %scan3A_97, %dma_start3A_118] : memref<8x16x4x1024xf32, #tpu.memory_space<hbm>> -> memref<1x1x1x1024xf32, #tpu.memory_space<hbm>>
          %dma_start3A_120 = tpu.memref_squeeze %dma_start3A_119 : memref<1x1x1x1024xf32, #tpu.memory_space<hbm>> -> memref<1024xf32, #tpu.memory_space<hbm>>
          tpu.enqueue_dma source(%dma_start3A_120 : memref<1024xf32, #tpu.memory_space<hbm>>) target(%arg9 : memref<1024xf32, #tpu.memory_space<vmem>>) target_semaphore(%run_scoped3A : memref<!tpu.dma_semaphore, #tpu.memory_space<semaphore_mem>>)
          %dma_wait3A_121 = arith.constant 0 : i32
          %dma_wait3A_122 = tpu.memref_slice %arg3[%scan3A_54, %arg1, %scan3A_97, %dma_wait3A_121] : memref<8x16x4x1024xf32, #tpu.memory_space<hbm>> -> memref<1x1x1x1024xf32, #tpu.memory_space<hbm>>
          %dma_wait3A_123 = tpu.memref_squeeze %dma_wait3A_122 : memref<1x1x1x1024xf32, #tpu.memory_space<hbm>> -> memref<1024xf32, #tpu.memory_space<hbm>>
          %dma_wait3A_124 = arith.constant 0 : i32
          %dma_wait3A_125 = tpu.memref_slice %arg3[%scan3A_54, %arg1, %scan3A_97, %dma_wait3A_124] : memref<8x16x4x1024xf32, #tpu.memory_space<hbm>> -> memref<1x1x1x1024xf32, #tpu.memory_space<hbm>>
          %dma_wait3A_126 = tpu.memref_squeeze %dma_wait3A_125 : memref<1x1x1x1024xf32, #tpu.memory_space<hbm>> -> memref<1024xf32, #tpu.memory_space<hbm>>
          tpu.wait_dma2 semaphore(%run_scoped3A : memref<!tpu.dma_semaphore, #tpu.memory_space<semaphore_mem>>) src(%dma_wait3A_126 : memref<1024xf32, #tpu.memory_space<hbm>>) dst(%arg9 : memref<1024xf32, #tpu.memory_space<vmem>>)
          tpu.yield
        }) : () -> ()
        "tpu.region"() ({
          %run_scoped3A = tpu.sem_alloc : memref<!tpu.dma_semaphore, #tpu.memory_space<semaphore_mem>>
          %dma_start3A_115 = arith.constant 0 : i32
          %dma_start3A_116 = arith.constant 0 : i32
          %dma_start3A_117 = tpu.memref_slice %arg4[%scan3A_54, %arg0, %dma_start3A_115, %arg1, %scan3A_97, %dma_start3A_116] : memref<8x2x16x16x4x1024xf32, #tpu.memory_space<hbm>> -> memref<1x1x16x1x1x1024xf32, #tpu.memory_space<hbm>>
          %dma_start3A_118 = tpu.memref_squeeze %dma_start3A_117 : memref<1x1x16x1x1x1024xf32, #tpu.memory_space<hbm>> -> memref<16x1024xf32, #tpu.memory_space<hbm>>
          %dma_start3A_119 = arith.constant 0 : i32
          %dma_start3A_120 = arith.constant 0 : i32
          %dma_start3A_121 = tpu.memref_slice %arg4[%scan3A_54, %arg0, %dma_start3A_119, %arg1, %scan3A_97, %dma_start3A_120] : memref<8x2x16x16x4x1024xf32, #tpu.memory_space<hbm>> -> memref<1x1x16x1x1x1024xf32, #tpu.memory_space<hbm>>
          %dma_start3A_122 = tpu.memref_squeeze %dma_start3A_121 : memref<1x1x16x1x1x1024xf32, #tpu.memory_space<hbm>> -> memref<16x1024xf32, #tpu.memory_space<hbm>>
          tpu.enqueue_dma source(%dma_start3A_122 : memref<16x1024xf32, #tpu.memory_space<hbm>>) target(%arg10 : memref<16x1024xf32, #tpu.memory_space<vmem>>) target_semaphore(%run_scoped3A : memref<!tpu.dma_semaphore, #tpu.memory_space<semaphore_mem>>)
          %dma_wait3A_123 = arith.constant 0 : i32
          %dma_wait3A_124 = arith.constant 0 : i32
          %dma_wait3A_125 = tpu.memref_slice %arg4[%scan3A_54, %arg0, %dma_wait3A_123, %arg1, %scan3A_97, %dma_wait3A_124] : memref<8x2x16x16x4x1024xf32, #tpu.memory_space<hbm>> -> memref<1x1x16x1x1x1024xf32, #tpu.memory_space<hbm>>
          %dma_wait3A_126 = tpu.memref_squeeze %dma_wait3A_125 : memref<1x1x16x1x1x1024xf32, #tpu.memory_space<hbm>> -> memref<16x1024xf32, #tpu.memory_space<hbm>>
          %dma_wait3A_127 = arith.constant 0 : i32
          %dma_wait3A_128 = arith.constant 0 : i32
          %dma_wait3A_129 = tpu.memref_slice %arg4[%scan3A_54, %arg0, %dma_wait3A_127, %arg1, %scan3A_97, %dma_wait3A_128] : memref<8x2x16x16x4x1024xf32, #tpu.memory_space<hbm>> -> memref<1x1x16x1x1x1024xf32, #tpu.memory_space<hbm>>
          %dma_wait3A_130 = tpu.memref_squeeze %dma_wait3A_129 : memref<1x1x16x1x1x1024xf32, #tpu.memory_space<hbm>> -> memref<16x1024xf32, #tpu.memory_space<hbm>>
          tpu.wait_dma2 semaphore(%run_scoped3A : memref<!tpu.dma_semaphore, #tpu.memory_space<semaphore_mem>>) src(%dma_wait3A_130 : memref<16x1024xf32, #tpu.memory_space<hbm>>) dst(%arg10 : memref<16x1024xf32, #tpu.memory_space<vmem>>)
          tpu.yield
        }) : () -> ()
        %gt3A = arith.constant 0 : i32
        %gt3A_100 = arith.cmpi sgt, %scan3A_97, %gt3A : i32
        %convert_element_type3A = arith.extui %gt3A_100 : i1 to i32
        %cond3A = arith.constant 0 : i32
        %cond3A_101 = arith.cmpi ne, %convert_element_type3A, %cond3A : i32
        scf.if %cond3A_101 {
          %dma_wait3A_115 = arith.constant 0 : i32
          %dma_wait3A_116 = tpu.memref_slice %arg8[%and3A_99, %dma_wait3A_115] : memref<2x1024xi32, #tpu.memory_space<vmem>> -> memref<1x1024xi32, #tpu.memory_space<vmem>>
          %dma_wait3A_117 = tpu.memref_squeeze %dma_wait3A_116 : memref<1x1024xi32, #tpu.memory_space<vmem>> -> memref<1024xi32, #tpu.memory_space<vmem>>
          %dma_wait3A_118 = arith.constant 0 : i32
          %dma_wait3A_119 = arith.constant 0 : i32
          %dma_wait3A_120 = tpu.memref_slice %arg6[%dma_wait3A_118, %dma_wait3A_119] : memref<65536x16xf32, #tpu.memory_space<vmem_shared>> -> memref<65536x16xf32, #tpu.memory_space<vmem_shared>>
          tpu.wait_indirect_dma semaphore(%arg14 : memref<!tpu.dma_semaphore, #tpu.memory_space<semaphore_mem>>) src(%arg11 : memref<1024x16xf32, #tpu.memory_space<vmem>>) dst(%dma_wait3A_120 : memref<65536x16xf32, #tpu.memory_space<vmem_shared>>)
        } else {
        }
        %scan3A_102 = arith.constant 0 : i32
        %scan3A_103 = arith.constant 0 : i32
        %scan3A_104 = arith.constant 64 : i32
        %scan3A_105 = arith.addi %scan3A_103, %scan3A_104 : i32
        %scan3A_106 = arith.constant 1 : i32
        %scan3A_107 = scf.for %scan3A_115 = %scan3A_103 to %scan3A_105 step %scan3A_106 iter_args(%scan3A_116 = %scan3A_102) -> (i32)  : i32 {
          %mul3A_117 = arith.constant 16 : i32
          %mul3A_118 = arith.muli %scan3A_115, %mul3A_117 : i32
          %get3A = arith.index_cast %mul3A_118 : i32 to index
          %get3A_119 = tpu.vector_load %arg9[%get3A] {strides = array<i32>} : memref<1024xf32, #tpu.memory_space<vmem>>, vector<16xf32>,
          %mul3A_120 = arith.constant 16 : i32
          %mul3A_121 = arith.muli %scan3A_115, %mul3A_120 : i32
          %add3A = vector.broadcast %mul3A_121 : i32 to vector<16xi32>
          %add3A_122 = arith.addi %iota3A, %add3A : vector<16xi32>
          %mul3A_123 = arith.constant 16 : i32
          %mul3A_124 = arith.muli %scan3A_115, %mul3A_123 : i32
          %get3A_125 = arith.constant 0 : i32
          %get3A_126 = arith.index_cast %get3A_125 : i32 to index
          %get3A_127 = arith.index_cast %mul3A_124 : i32 to index
          %get3A_128 = tpu.vector_load %arg10[%get3A_126, %get3A_127] {strides = array<i32>} : memref<16x1024xf32, #tpu.memory_space<vmem>>, vector<16xf32>,
          %mul3A_129 = arith.mulf %get3A_128, %get3A_119 : vector<16xf32>
          tpu.vector_store_idx %arg11[%add3A_122, %broadcast_in_dim3A_16], %mul3A_129 : memref<1024x16xf32, #tpu.memory_space<vmem>>[vector<16xi32>, vector<16xi32>], vector<16xf32>,
          %mul3A_130 = arith.constant 16 : i32
          %mul3A_131 = arith.muli %scan3A_115, %mul3A_130 : i32
          %get3A_132 = arith.constant 1 : i32
          %get3A_133 = arith.index_cast %get3A_132 : i32 to index
          %get3A_134 = arith.index_cast %mul3A_131 : i32 to index
          %get3A_135 = tpu.vector_load %arg10[%get3A_133, %get3A_134] {strides = array<i32>} : memref<16x1024xf32, #tpu.memory_space<vmem>>, vector<16xf32>,
          %mul3A_136 = arith.mulf %get3A_135, %get3A_119 : vector<16xf32>
          tpu.vector_store_idx %arg11[%add3A_122, %broadcast_in_dim3A_18], %mul3A_136 : memref<1024x16xf32, #tpu.memory_space<vmem>>[vector<16xi32>, vector<16xi32>], vector<16xf32>,
          %mul3A_137 = arith.constant 16 : i32
          %mul3A_138 = arith.muli %scan3A_115, %mul3A_137 : i32
          %get3A_139 = arith.constant 2 : i32
          %get3A_140 = arith.index_cast %get3A_139 : i32 to index
          %get3A_141 = arith.index_cast %mul3A_138 : i32 to index
          %get3A_142 = tpu.vector_load %arg10[%get3A_140, %get3A_141] {strides = array<i32>} : memref<16x1024xf32, #tpu.memory_space<vmem>>, vector<16xf32>,
          %mul3A_143 = arith.mulf %get3A_142, %get3A_119 : vector<16xf32>
          tpu.vector_store_idx %arg11[%add3A_122, %broadcast_in_dim3A_20], %mul3A_143 : memref<1024x16xf32, #tpu.memory_space<vmem>>[vector<16xi32>, vector<16xi32>], vector<16xf32>,
          %mul3A_144 = arith.constant 16 : i32
          %mul3A_145 = arith.muli %scan3A_115, %mul3A_144 : i32
          %get3A_146 = arith.constant 3 : i32
          %get3A_147 = arith.index_cast %get3A_146 : i32 to index
          %get3A_148 = arith.index_cast %mul3A_145 : i32 to index
          %get3A_149 = tpu.vector_load %arg10[%get3A_147, %get3A_148] {strides = array<i32>} : memref<16x1024xf32, #tpu.memory_space<vmem>>, vector<16xf32>,
          %mul3A_150 = arith.mulf %get3A_149, %get3A_119 : vector<16xf32>
          tpu.vector_store_idx %arg11[%add3A_122, %broadcast_in_dim3A_22], %mul3A_150 : memref<1024x16xf32, #tpu.memory_space<vmem>>[vector<16xi32>, vector<16xi32>], vector<16xf32>,
          %mul3A_151 = arith.constant 16 : i32
          %mul3A_152 = arith.muli %scan3A_115, %mul3A_151 : i32
          %get3A_153 = arith.constant 4 : i32
          %get3A_154 = arith.index_cast %get3A_153 : i32 to index
          %get3A_155 = arith.index_cast %mul3A_152 : i32 to index
          %get3A_156 = tpu.vector_load %arg10[%get3A_154, %get3A_155] {strides = array<i32>} : memref<16x1024xf32, #tpu.memory_space<vmem>>, vector<16xf32>,
          %mul3A_157 = arith.mulf %get3A_156, %get3A_119 : vector<16xf32>
          tpu.vector_store_idx %arg11[%add3A_122, %broadcast_in_dim3A_24], %mul3A_157 : memref<1024x16xf32, #tpu.memory_space<vmem>>[vector<16xi32>, vector<16xi32>], vector<16xf32>,
          %mul3A_158 = arith.constant 16 : i32
          %mul3A_159 = arith.muli %scan3A_115, %mul3A_158 : i32
          %get3A_160 = arith.constant 5 : i32
          %get3A_161 = arith.index_cast %get3A_160 : i32 to index
          %get3A_162 = arith.index_cast %mul3A_159 : i32 to index
          %get3A_163 = tpu.vector_load %arg10[%get3A_161, %get3A_162] {strides = array<i32>} : memref<16x1024xf32, #tpu.memory_space<vmem>>, vector<16xf32>,
          %mul3A_164 = arith.mulf %get3A_163, %get3A_119 : vector<16xf32>
          tpu.vector_store_idx %arg11[%add3A_122, %broadcast_in_dim3A_26], %mul3A_164 : memref<1024x16xf32, #tpu.memory_space<vmem>>[vector<16xi32>, vector<16xi32>], vector<16xf32>,
          %mul3A_165 = arith.constant 16 : i32
          %mul3A_166 = arith.muli %scan3A_115, %mul3A_165 : i32
          %get3A_167 = arith.constant 6 : i32
          %get3A_168 = arith.index_cast %get3A_167 : i32 to index
          %get3A_169 = arith.index_cast %mul3A_166 : i32 to index
          %get3A_170 = tpu.vector_load %arg10[%get3A_168, %get3A_169] {strides = array<i32>} : memref<16x1024xf32, #tpu.memory_space<vmem>>, vector<16xf32>,
          %mul3A_171 = arith.mulf %get3A_170, %get3A_119 : vector<16xf32>
          tpu.vector_store_idx %arg11[%add3A_122, %broadcast_in_dim3A_28], %mul3A_171 : memref<1024x16xf32, #tpu.memory_space<vmem>>[vector<16xi32>, vector<16xi32>], vector<16xf32>,
          %mul3A_172 = arith.constant 16 : i32
          %mul3A_173 = arith.muli %scan3A_115, %mul3A_172 : i32
          %get3A_174 = arith.constant 7 : i32
          %get3A_175 = arith.index_cast %get3A_174 : i32 to index
          %get3A_176 = arith.index_cast %mul3A_173 : i32 to index
          %get3A_177 = tpu.vector_load %arg10[%get3A_175, %get3A_176] {strides = array<i32>} : memref<16x1024xf32, #tpu.memory_space<vmem>>, vector<16xf32>,
          %mul3A_178 = arith.mulf %get3A_177, %get3A_119 : vector<16xf32>
          tpu.vector_store_idx %arg11[%add3A_122, %broadcast_in_dim3A_30], %mul3A_178 : memref<1024x16xf32, #tpu.memory_space<vmem>>[vector<16xi32>, vector<16xi32>], vector<16xf32>,
          %mul3A_179 = arith.constant 16 : i32
          %mul3A_180 = arith.muli %scan3A_115, %mul3A_179 : i32
          %get3A_181 = arith.constant 8 : i32
          %get3A_182 = arith.index_cast %get3A_181 : i32 to index
          %get3A_183 = arith.index_cast %mul3A_180 : i32 to index
          %get3A_184 = tpu.vector_load %arg10[%get3A_182, %get3A_183] {strides = array<i32>} : memref<16x1024xf32, #tpu.memory_space<vmem>>, vector<16xf32>,
          %mul3A_185 = arith.mulf %get3A_184, %get3A_119 : vector<16xf32>
          tpu.vector_store_idx %arg11[%add3A_122, %broadcast_in_dim3A_32], %mul3A_185 : memref<1024x16xf32, #tpu.memory_space<vmem>>[vector<16xi32>, vector<16xi32>], vector<16xf32>,
          %mul3A_186 = arith.constant 16 : i32
          %mul3A_187 = arith.muli %scan3A_115, %mul3A_186 : i32
          %get3A_188 = arith.constant 9 : i32
          %get3A_189 = arith.index_cast %get3A_188 : i32 to index
          %get3A_190 = arith.index_cast %mul3A_187 : i32 to index
          %get3A_191 = tpu.vector_load %arg10[%get3A_189, %get3A_190] {strides = array<i32>} : memref<16x1024xf32, #tpu.memory_space<vmem>>, vector<16xf32>,
          %mul3A_192 = arith.mulf %get3A_191, %get3A_119 : vector<16xf32>
          tpu.vector_store_idx %arg11[%add3A_122, %broadcast_in_dim3A_34], %mul3A_192 : memref<1024x16xf32, #tpu.memory_space<vmem>>[vector<16xi32>, vector<16xi32>], vector<16xf32>,
          %mul3A_193 = arith.constant 16 : i32
          %mul3A_194 = arith.muli %scan3A_115, %mul3A_193 : i32
          %get3A_195 = arith.constant 10 : i32
          %get3A_196 = arith.index_cast %get3A_195 : i32 to index
          %get3A_197 = arith.index_cast %mul3A_194 : i32 to index
          %get3A_198 = tpu.vector_load %arg10[%get3A_196, %get3A_197] {strides = array<i32>} : memref<16x1024xf32, #tpu.memory_space<vmem>>, vector<16xf32>,
          %mul3A_199 = arith.mulf %get3A_198, %get3A_119 : vector<16xf32>
          tpu.vector_store_idx %arg11[%add3A_122, %broadcast_in_dim3A_36], %mul3A_199 : memref<1024x16xf32, #tpu.memory_space<vmem>>[vector<16xi32>, vector<16xi32>], vector<16xf32>,
          %mul3A_200 = arith.constant 16 : i32
          %mul3A_201 = arith.muli %scan3A_115, %mul3A_200 : i32
          %get3A_202 = arith.constant 11 : i32
          %get3A_203 = arith.index_cast %get3A_202 : i32 to index
          %get3A_204 = arith.index_cast %mul3A_201 : i32 to index
          %get3A_205 = tpu.vector_load %arg10[%get3A_203, %get3A_204] {strides = array<i32>} : memref<16x1024xf32, #tpu.memory_space<vmem>>, vector<16xf32>,
          %mul3A_206 = arith.mulf %get3A_205, %get3A_119 : vector<16xf32>
          tpu.vector_store_idx %arg11[%add3A_122, %broadcast_in_dim3A_38], %mul3A_206 : memref<1024x16xf32, #tpu.memory_space<vmem>>[vector<16xi32>, vector<16xi32>], vector<16xf32>,
          %mul3A_207 = arith.constant 16 : i32
          %mul3A_208 = arith.muli %scan3A_115, %mul3A_207 : i32
          %get3A_209 = arith.constant 12 : i32
          %get3A_210 = arith.index_cast %get3A_209 : i32 to index
          %get3A_211 = arith.index_cast %mul3A_208 : i32 to index
          %get3A_212 = tpu.vector_load %arg10[%get3A_210, %get3A_211] {strides = array<i32>} : memref<16x1024xf32, #tpu.memory_space<vmem>>, vector<16xf32>,
          %mul3A_213 = arith.mulf %get3A_212, %get3A_119 : vector<16xf32>
          tpu.vector_store_idx %arg11[%add3A_122, %broadcast_in_dim3A_40], %mul3A_213 : memref<1024x16xf32, #tpu.memory_space<vmem>>[vector<16xi32>, vector<16xi32>], vector<16xf32>,
          %mul3A_214 = arith.constant 16 : i32
          %mul3A_215 = arith.muli %scan3A_115, %mul3A_214 : i32
          %get3A_216 = arith.constant 13 : i32
          %get3A_217 = arith.index_cast %get3A_216 : i32 to index
          %get3A_218 = arith.index_cast %mul3A_215 : i32 to index
          %get3A_219 = tpu.vector_load %arg10[%get3A_217, %get3A_218] {strides = array<i32>} : memref<16x1024xf32, #tpu.memory_space<vmem>>, vector<16xf32>,
          %mul3A_220 = arith.mulf %get3A_219, %get3A_119 : vector<16xf32>
          tpu.vector_store_idx %arg11[%add3A_122, %broadcast_in_dim3A_42], %mul3A_220 : memref<1024x16xf32, #tpu.memory_space<vmem>>[vector<16xi32>, vector<16xi32>], vector<16xf32>,
          %mul3A_221 = arith.constant 16 : i32
          %mul3A_222 = arith.muli %scan3A_115, %mul3A_221 : i32
          %get3A_223 = arith.constant 14 : i32
          %get3A_224 = arith.index_cast %get3A_223 : i32 to index
          %get3A_225 = arith.index_cast %mul3A_222 : i32 to index
          %get3A_226 = tpu.vector_load %arg10[%get3A_224, %get3A_225] {strides = array<i32>} : memref<16x1024xf32, #tpu.memory_space<vmem>>, vector<16xf32>,
          %mul3A_227 = arith.mulf %get3A_226, %get3A_119 : vector<16xf32>
          tpu.vector_store_idx %arg11[%add3A_122, %broadcast_in_dim3A_44], %mul3A_227 : memref<1024x16xf32, #tpu.memory_space<vmem>>[vector<16xi32>, vector<16xi32>], vector<16xf32>,
          %mul3A_228 = arith.constant 16 : i32
          %mul3A_229 = arith.muli %scan3A_115, %mul3A_228 : i32
          %get3A_230 = arith.constant 15 : i32
          %get3A_231 = arith.index_cast %get3A_230 : i32 to index
          %get3A_232 = arith.index_cast %mul3A_229 : i32 to index
          %get3A_233 = tpu.vector_load %arg10[%get3A_231, %get3A_232] {strides = array<i32>} : memref<16x1024xf32, #tpu.memory_space<vmem>>, vector<16xf32>,
          %mul3A_234 = arith.mulf %get3A_233, %get3A_119 : vector<16xf32>
          tpu.vector_store_idx %arg11[%add3A_122, %broadcast_in_dim3A_46], %mul3A_234 : memref<1024x16xf32, #tpu.memory_space<vmem>>[vector<16xi32>, vector<16xi32>], vector<16xf32>,
          %scan3A_235 = arith.constant 0 : i32
          scf.yield %scan3A_235 : i32
        }
        %scan3A_108 = arith.constant 64 : i32
        %dma_start3A = arith.constant 0 : i32
        %dma_start3A_109 = tpu.memref_slice %arg8[%and3A_99, %dma_start3A] : memref<2x1024xi32, #tpu.memory_space<vmem>> -> memref<1x1024xi32, #tpu.memory_space<vmem>>
        %dma_start3A_110 = tpu.memref_squeeze %dma_start3A_109 : memref<1x1024xi32, #tpu.memory_space<vmem>> -> memref<1024xi32, #tpu.memory_space<vmem>>
        %dma_start3A_111 = arith.constant 0 : i32
        %dma_start3A_112 = arith.constant 0 : i32
        %dma_start3A_113 = tpu.memref_slice %arg6[%dma_start3A_111, %dma_start3A_112] : memref<65536x16xf32, #tpu.memory_space<vmem_shared>> -> memref<65536x16xf32, #tpu.memory_space<vmem_shared>>
        tpu.enqueue_indirect_dma source(%arg11 : memref<1024x16xf32, #tpu.memory_space<vmem>>) target(%dma_start3A_113 : memref<65536x16xf32, #tpu.memory_space<vmem_shared>>) offsets(%dma_start3A_110 : memref<1024xi32, #tpu.memory_space<vmem>>) semaphore(%arg14 : memref<!tpu.dma_semaphore, #tpu.memory_space<semaphore_mem>>) {add = true}
        "tpu.region"() ({
          %run_scoped3A = tpu.sem_alloc : memref<!tpu.dma_semaphore, #tpu.memory_space<semaphore_mem>>
          %dma_start3A_115 = arith.constant 0 : i32
          %dma_start3A_116 = tpu.memref_slice %arg8[%and3A_99, %dma_start3A_115] : memref<2x1024xi32, #tpu.memory_space<vmem>> -> memref<1x1024xi32, #tpu.memory_space<vmem>>
          %dma_start3A_117 = tpu.memref_squeeze %dma_start3A_116 : memref<1x1024xi32, #tpu.memory_space<vmem>> -> memref<1024xi32, #tpu.memory_space<vmem>>
          %dma_start3A_118 = arith.constant 0 : i32
          %dma_start3A_119 = tpu.memref_slice %arg7[%dma_start3A_118] : memref<65536xf32, #tpu.memory_space<vmem_shared>> -> memref<65536xf32, #tpu.memory_space<vmem_shared>>
          tpu.enqueue_indirect_dma source(%arg9 : memref<1024xf32, #tpu.memory_space<vmem>>) target(%dma_start3A_119 : memref<65536xf32, #tpu.memory_space<vmem_shared>>) offsets(%dma_start3A_117 : memref<1024xi32, #tpu.memory_space<vmem>>) semaphore(%run_scoped3A : memref<!tpu.dma_semaphore, #tpu.memory_space<semaphore_mem>>) {add = true}
          %dma_wait3A_120 = arith.constant 0 : i32
          %dma_wait3A_121 = tpu.memref_slice %arg8[%and3A_99, %dma_wait3A_120] : memref<2x1024xi32, #tpu.memory_space<vmem>> -> memref<1x1024xi32, #tpu.memory_space<vmem>>
          %dma_wait3A_122 = tpu.memref_squeeze %dma_wait3A_121 : memref<1x1024xi32, #tpu.memory_space<vmem>> -> memref<1024xi32, #tpu.memory_space<vmem>>
          %dma_wait3A_123 = arith.constant 0 : i32
          %dma_wait3A_124 = tpu.memref_slice %arg7[%dma_wait3A_123] : memref<65536xf32, #tpu.memory_space<vmem_shared>> -> memref<65536xf32, #tpu.memory_space<vmem_shared>>
          tpu.wait_indirect_dma semaphore(%run_scoped3A : memref<!tpu.dma_semaphore, #tpu.memory_space<semaphore_mem>>) src(%arg9 : memref<1024xf32, #tpu.memory_space<vmem>>) dst(%dma_wait3A_124 : memref<65536xf32, #tpu.memory_space<vmem_shared>>)
          tpu.yield
        }) : () -> ()
        %scan3A_114 = arith.constant 0 : i32
        scf.yield %scan3A_114 : i32
      }
      %scan3A_69 = arith.constant 4 : i32
      %dma_wait3A = arith.constant 0 : i32
      %dma_wait3A_70 = tpu.memref_slice %arg6[%mul3A_0, %dma_wait3A] : memref<65536x16xf32, #tpu.memory_space<vmem_shared>> -> memref<1024x16xf32, #tpu.memory_space<vmem_shared>>
      %dma_wait3A_71 = arith.constant 0 : i32
      %dma_wait3A_72 = tpu.memref_slice %arg6[%mul3A_0, %dma_wait3A_71] : memref<65536x16xf32, #tpu.memory_space<vmem_shared>> -> memref<1024x16xf32, #tpu.memory_space<vmem_shared>>
      tpu.wait_dma2 semaphore(%arg14 : memref<!tpu.dma_semaphore, #tpu.memory_space<semaphore_mem>>) src(%arg11 : memref<1024x16xf32, #tpu.memory_space<vmem>>) dst(%dma_wait3A_72 : memref<1024x16xf32, #tpu.memory_space<vmem_shared>>)
      %barrier3A_73 = arith.constant 0 : index
      tpu.barrier barrier_id(%barrier3A_73)
      "tpu.region"() ({
        %run_scoped3A = tpu.sem_alloc : memref<!tpu.dma_semaphore, #tpu.memory_space<semaphore_mem>>
        %dma_start3A = tpu.memref_slice %arg7[%mul3A_0] : memref<65536xf32, #tpu.memory_space<vmem_shared>> -> memref<4096xf32, #tpu.memory_space<vmem_shared>>
        %dma_start3A_97 = tpu.memref_slice %arg7[%mul3A_0] : memref<65536xf32, #tpu.memory_space<vmem_shared>> -> memref<4096xf32, #tpu.memory_space<vmem_shared>>
        tpu.enqueue_dma source(%dma_start3A_97 : memref<4096xf32, #tpu.memory_space<vmem_shared>>) target(%arg13 : memref<4096xf32, #tpu.memory_space<vmem>>) target_semaphore(%run_scoped3A : memref<!tpu.dma_semaphore, #tpu.memory_space<semaphore_mem>>)
        %dma_wait3A_98 = tpu.memref_slice %arg7[%mul3A_0] : memref<65536xf32, #tpu.memory_space<vmem_shared>> -> memref<4096xf32, #tpu.memory_space<vmem_shared>>
        %dma_wait3A_99 = tpu.memref_slice %arg7[%mul3A_0] : memref<65536xf32, #tpu.memory_space<vmem_shared>> -> memref<4096xf32, #tpu.memory_space<vmem_shared>>
        tpu.wait_dma2 semaphore(%run_scoped3A : memref<!tpu.dma_semaphore, #tpu.memory_space<semaphore_mem>>) src(%dma_wait3A_99 : memref<4096xf32, #tpu.memory_space<vmem_shared>>) dst(%arg13 : memref<4096xf32, #tpu.memory_space<vmem>>)
        tpu.yield
      }) : () -> ()
      %scan3A_74 = arith.constant 0 : i32
      %scan3A_75 = arith.constant 0 : i32
      %scan3A_76 = arith.constant 4 : i32
      %scan3A_77 = arith.addi %scan3A_75, %scan3A_76 : i32
      %scan3A_78 = arith.constant 1 : i32
      %scan3A_79 = scf.for %scan3A_97 = %scan3A_75 to %scan3A_77 step %scan3A_78 iter_args(%scan3A_98 = %scan3A_74) -> (i32)  : i32 {
        %mul3A_99 = arith.constant 1024 : i32
        %mul3A_100 = arith.muli %scan3A_97, %mul3A_99 : i32
        %add3A = arith.addi %mul3A_0, %mul3A_100 : i32
        "tpu.region"() ({
          %run_scoped3A = tpu.sem_alloc : memref<!tpu.dma_semaphore, #tpu.memory_space<semaphore_mem>>
          %dma_start3A_524 = arith.constant 0 : i32
          %dma_start3A_525 = tpu.memref_slice %arg6[%add3A, %dma_start3A_524] : memref<65536x16xf32, #tpu.memory_space<vmem_shared>> -> memref<1024x16xf32, #tpu.memory_space<vmem_shared>>
          %dma_start3A_526 = arith.constant 0 : i32
          %dma_start3A_527 = tpu.memref_slice %arg6[%add3A, %dma_start3A_526] : memref<65536x16xf32, #tpu.memory_space<vmem_shared>> -> memref<1024x16xf32, #tpu.memory_space<vmem_shared>>
          tpu.enqueue_dma source(%dma_start3A_527 : memref<1024x16xf32, #tpu.memory_space<vmem_shared>>) target(%arg12 : memref<1024x16xf32, #tpu.memory_space<vmem>>) target_semaphore(%run_scoped3A : memref<!tpu.dma_semaphore, #tpu.memory_space<semaphore_mem>>)
          %dma_wait3A_528 = arith.constant 0 : i32
          %dma_wait3A_529 = tpu.memref_slice %arg6[%add3A, %dma_wait3A_528] : memref<65536x16xf32, #tpu.memory_space<vmem_shared>> -> memref<1024x16xf32, #tpu.memory_space<vmem_shared>>
          %dma_wait3A_530 = arith.constant 0 : i32
          %dma_wait3A_531 = tpu.memref_slice %arg6[%add3A, %dma_wait3A_530] : memref<65536x16xf32, #tpu.memory_space<vmem_shared>> -> memref<1024x16xf32, #tpu.memory_space<vmem_shared>>
          tpu.wait_dma2 semaphore(%run_scoped3A : memref<!tpu.dma_semaphore, #tpu.memory_space<semaphore_mem>>) src(%dma_wait3A_531 : memref<1024x16xf32, #tpu.memory_space<vmem_shared>>) dst(%arg12 : memref<1024x16xf32, #tpu.memory_space<vmem>>)
          tpu.yield
        }) : () -> ()
        %scan3A_101 = arith.constant 0 : i32
        %scan3A_102 = arith.constant 0 : i32
        %scan3A_103 = arith.constant 64 : i32
        %scan3A_104 = arith.addi %scan3A_102, %scan3A_103 : i32
        %scan3A_105 = arith.constant 1 : i32
        %scan3A_106 = scf.for %scan3A_524 = %scan3A_102 to %scan3A_104 step %scan3A_105 iter_args(%scan3A_525 = %scan3A_101) -> (i32)  : i32 {
          %mul3A_526 = arith.constant 1024 : i32
          %mul3A_527 = arith.muli %scan3A_97, %mul3A_526 : i32
          %mul3A_528 = arith.constant 16 : i32
          %mul3A_529 = arith.muli %scan3A_524, %mul3A_528 : i32
          %add3A_530 = arith.addi %mul3A_527, %mul3A_529 : i32
          %get3A = arith.index_cast %add3A_530 : i32 to index
          %get3A_531 = tpu.vector_load %arg13[%get3A] {strides = array<i32>} : memref<4096xf32, #tpu.memory_space<vmem>>, vector<16xf32>,
          %add3A_532 = arith.constant 9.99999993E-9 : f32
          %add3A_533 = vector.broadcast %add3A_532 : f32 to vector<16xf32>
          %add3A_534 = arith.addf %get3A_531, %add3A_533 : vector<16xf32>
          %div3A = arith.constant 1.000000e+00 : f32
          %div3A_535 = vector.broadcast %div3A : f32 to vector<16xf32>
          %div3A_536 = arith.divf %div3A_535, %add3A_534 : vector<16xf32>
          %mul3A_537 = arith.constant 16 : i32
          %mul3A_538 = arith.muli %scan3A_524, %mul3A_537 : i32
          %add3A_539 = vector.broadcast %mul3A_538 : i32 to vector<16xi32>
          %add3A_540 = arith.addi %iota3A, %add3A_539 : vector<16xi32>
          %gather3A = tpu.vector_load_idx %arg12[%add3A_540, %broadcast_in_dim3A_16] : memref<1024x16xf32, #tpu.memory_space<vmem>>[vector<16xi32>, vector<16xi32>], vector<16xf32>,
          %mul3A_541 = arith.mulf %gather3A, %div3A_536 : vector<16xf32>
          %mul3A_542 = arith.constant 16 : i32
          %mul3A_543 = arith.muli %scan3A_524, %mul3A_542 : i32
          %swap3A = arith.constant 0 : i32
          %swap3A_544 = arith.index_cast %swap3A : i32 to index
          %swap3A_545 = arith.index_cast %mul3A_543 : i32 to index
          %swap3A_546 = tpu.vector_load %arg10[%swap3A_544, %swap3A_545] {strides = array<i32>} : memref<16x1024xf32, #tpu.memory_space<vmem>>, vector<16xf32>,
          tpu.vector_store %arg10[%swap3A_544, %swap3A_545], %mul3A_541 {strides = array<i32>} : memref<16x1024xf32, #tpu.memory_space<vmem>>, vector<16xf32>,
          %gather3A_547 = tpu.vector_load_idx %arg12[%add3A_540, %broadcast_in_dim3A_18] : memref<1024x16xf32, #tpu.memory_space<vmem>>[vector<16xi32>, vector<16xi32>], vector<16xf32>,
          %mul3A_548 = arith.mulf %gather3A_547, %div3A_536 : vector<16xf32>
          %mul3A_549 = arith.constant 16 : i32
          %mul3A_550 = arith.muli %scan3A_524, %mul3A_549 : i32
          %swap3A_551 = arith.constant 1 : i32
          %swap3A_552 = arith.index_cast %swap3A_551 : i32 to index
          %swap3A_553 = arith.index_cast %mul3A_550 : i32 to index
          %swap3A_554 = tpu.vector_load %arg10[%swap3A_552, %swap3A_553] {strides = array<i32>} : memref<16x1024xf32, #tpu.memory_space<vmem>>, vector<16xf32>,
          tpu.vector_store %arg10[%swap3A_552, %swap3A_553], %mul3A_548 {strides = array<i32>} : memref<16x1024xf32, #tpu.memory_space<vmem>>, vector<16xf32>,
          %gather3A_555 = tpu.vector_load_idx %arg12[%add3A_540, %broadcast_in_dim3A_20] : memref<1024x16xf32, #tpu.memory_space<vmem>>[vector<16xi32>, vector<16xi32>], vector<16xf32>,
          %mul3A_556 = arith.mulf %gather3A_555, %div3A_536 : vector<16xf32>
          %mul3A_557 = arith.constant 16 : i32
          %mul3A_558 = arith.muli %scan3A_524, %mul3A_557 : i32
          %swap3A_559 = arith.constant 2 : i32
          %swap3A_560 = arith.index_cast %swap3A_559 : i32 to index
          %swap3A_561 = arith.index_cast %mul3A_558 : i32 to index
          %swap3A_562 = tpu.vector_load %arg10[%swap3A_560, %swap3A_561] {strides = array<i32>} : memref<16x1024xf32, #tpu.memory_space<vmem>>, vector<16xf32>,
          tpu.vector_store %arg10[%swap3A_560, %swap3A_561], %mul3A_556 {strides = array<i32>} : memref<16x1024xf32, #tpu.memory_space<vmem>>, vector<16xf32>,
          %gather3A_563 = tpu.vector_load_idx %arg12[%add3A_540, %broadcast_in_dim3A_22] : memref<1024x16xf32, #tpu.memory_space<vmem>>[vector<16xi32>, vector<16xi32>], vector<16xf32>,
          %mul3A_564 = arith.mulf %gather3A_563, %div3A_536 : vector<16xf32>
          %mul3A_565 = arith.constant 16 : i32
          %mul3A_566 = arith.muli %scan3A_524, %mul3A_565 : i32
          %swap3A_567 = arith.constant 3 : i32
          %swap3A_568 = arith.index_cast %swap3A_567 : i32 to index
          %swap3A_569 = arith.index_cast %mul3A_566 : i32 to index
          %swap3A_570 = tpu.vector_load %arg10[%swap3A_568, %swap3A_569] {strides = array<i32>} : memref<16x1024xf32, #tpu.memory_space<vmem>>, vector<16xf32>,
          tpu.vector_store %arg10[%swap3A_568, %swap3A_569], %mul3A_564 {strides = array<i32>} : memref<16x1024xf32, #tpu.memory_space<vmem>>, vector<16xf32>,
          %gather3A_571 = tpu.vector_load_idx %arg12[%add3A_540, %broadcast_in_dim3A_24] : memref<1024x16xf32, #tpu.memory_space<vmem>>[vector<16xi32>, vector<16xi32>], vector<16xf32>,
          %mul3A_572 = arith.mulf %gather3A_571, %div3A_536 : vector<16xf32>
          %mul3A_573 = arith.constant 16 : i32
          %mul3A_574 = arith.muli %scan3A_524, %mul3A_573 : i32
          %swap3A_575 = arith.constant 4 : i32
          %swap3A_576 = arith.index_cast %swap3A_575 : i32 to index
          %swap3A_577 = arith.index_cast %mul3A_574 : i32 to index
          %swap3A_578 = tpu.vector_load %arg10[%swap3A_576, %swap3A_577] {strides = array<i32>} : memref<16x1024xf32, #tpu.memory_space<vmem>>, vector<16xf32>,
          tpu.vector_store %arg10[%swap3A_576, %swap3A_577], %mul3A_572 {strides = array<i32>} : memref<16x1024xf32, #tpu.memory_space<vmem>>, vector<16xf32>,
          %gather3A_579 = tpu.vector_load_idx %arg12[%add3A_540, %broadcast_in_dim3A_26] : memref<1024x16xf32, #tpu.memory_space<vmem>>[vector<16xi32>, vector<16xi32>], vector<16xf32>,
          %mul3A_580 = arith.mulf %gather3A_579, %div3A_536 : vector<16xf32>
          %mul3A_581 = arith.constant 16 : i32
          %mul3A_582 = arith.muli %scan3A_524, %mul3A_581 : i32
          %swap3A_583 = arith.constant 5 : i32
          %swap3A_584 = arith.index_cast %swap3A_583 : i32 to index
          %swap3A_585 = arith.index_cast %mul3A_582 : i32 to index
          %swap3A_586 = tpu.vector_load %arg10[%swap3A_584, %swap3A_585] {strides = array<i32>} : memref<16x1024xf32, #tpu.memory_space<vmem>>, vector<16xf32>,
          tpu.vector_store %arg10[%swap3A_584, %swap3A_585], %mul3A_580 {strides = array<i32>} : memref<16x1024xf32, #tpu.memory_space<vmem>>, vector<16xf32>,
          %gather3A_587 = tpu.vector_load_idx %arg12[%add3A_540, %broadcast_in_dim3A_28] : memref<1024x16xf32, #tpu.memory_space<vmem>>[vector<16xi32>, vector<16xi32>], vector<16xf32>,
          %mul3A_588 = arith.mulf %gather3A_587, %div3A_536 : vector<16xf32>
          %mul3A_589 = arith.constant 16 : i32
          %mul3A_590 = arith.muli %scan3A_524, %mul3A_589 : i32
          %swap3A_591 = arith.constant 6 : i32
          %swap3A_592 = arith.index_cast %swap3A_591 : i32 to index
          %swap3A_593 = arith.index_cast %mul3A_590 : i32 to index
          %swap3A_594 = tpu.vector_load %arg10[%swap3A_592, %swap3A_593] {strides = array<i32>} : memref<16x1024xf32, #tpu.memory_space<vmem>>, vector<16xf32>,
          tpu.vector_store %arg10[%swap3A_592, %swap3A_593], %mul3A_588 {strides = array<i32>} : memref<16x1024xf32, #tpu.memory_space<vmem>>, vector<16xf32>,
          %gather3A_595 = tpu.vector_load_idx %arg12[%add3A_540, %broadcast_in_dim3A_30] : memref<1024x16xf32, #tpu.memory_space<vmem>>[vector<16xi32>, vector<16xi32>], vector<16xf32>,
          %mul3A_596 = arith.mulf %gather3A_595, %div3A_536 : vector<16xf32>
          %mul3A_597 = arith.constant 16 : i32
          %mul3A_598 = arith.muli %scan3A_524, %mul3A_597 : i32
          %swap3A_599 = arith.constant 7 : i32
          %swap3A_600 = arith.index_cast %swap3A_599 : i32 to index
          %swap3A_601 = arith.index_cast %mul3A_598 : i32 to index
          %swap3A_602 = tpu.vector_load %arg10[%swap3A_600, %swap3A_601] {strides = array<i32>} : memref<16x1024xf32, #tpu.memory_space<vmem>>, vector<16xf32>,
          tpu.vector_store %arg10[%swap3A_600, %swap3A_601], %mul3A_596 {strides = array<i32>} : memref<16x1024xf32, #tpu.memory_space<vmem>>, vector<16xf32>,
          %gather3A_603 = tpu.vector_load_idx %arg12[%add3A_540, %broadcast_in_dim3A_32] : memref<1024x16xf32, #tpu.memory_space<vmem>>[vector<16xi32>, vector<16xi32>], vector<16xf32>,
          %mul3A_604 = arith.mulf %gather3A_603, %div3A_536 : vector<16xf32>
          %mul3A_605 = arith.constant 16 : i32
          %mul3A_606 = arith.muli %scan3A_524, %mul3A_605 : i32
          %swap3A_607 = arith.constant 8 : i32
          %swap3A_608 = arith.index_cast %swap3A_607 : i32 to index
          %swap3A_609 = arith.index_cast %mul3A_606 : i32 to index
          %swap3A_610 = tpu.vector_load %arg10[%swap3A_608, %swap3A_609] {strides = array<i32>} : memref<16x1024xf32, #tpu.memory_space<vmem>>, vector<16xf32>,
          tpu.vector_store %arg10[%swap3A_608, %swap3A_609], %mul3A_604 {strides = array<i32>} : memref<16x1024xf32, #tpu.memory_space<vmem>>, vector<16xf32>,
          %gather3A_611 = tpu.vector_load_idx %arg12[%add3A_540, %broadcast_in_dim3A_34] : memref<1024x16xf32, #tpu.memory_space<vmem>>[vector<16xi32>, vector<16xi32>], vector<16xf32>,
          %mul3A_612 = arith.mulf %gather3A_611, %div3A_536 : vector<16xf32>
          %mul3A_613 = arith.constant 16 : i32
          %mul3A_614 = arith.muli %scan3A_524, %mul3A_613 : i32
          %swap3A_615 = arith.constant 9 : i32
          %swap3A_616 = arith.index_cast %swap3A_615 : i32 to index
          %swap3A_617 = arith.index_cast %mul3A_614 : i32 to index
          %swap3A_618 = tpu.vector_load %arg10[%swap3A_616, %swap3A_617] {strides = array<i32>} : memref<16x1024xf32, #tpu.memory_space<vmem>>, vector<16xf32>,
          tpu.vector_store %arg10[%swap3A_616, %swap3A_617], %mul3A_612 {strides = array<i32>} : memref<16x1024xf32, #tpu.memory_space<vmem>>, vector<16xf32>,
          %gather3A_619 = tpu.vector_load_idx %arg12[%add3A_540, %broadcast_in_dim3A_36] : memref<1024x16xf32, #tpu.memory_space<vmem>>[vector<16xi32>, vector<16xi32>], vector<16xf32>,
          %mul3A_620 = arith.mulf %gather3A_619, %div3A_536 : vector<16xf32>
          %mul3A_621 = arith.constant 16 : i32
          %mul3A_622 = arith.muli %scan3A_524, %mul3A_621 : i32
          %swap3A_623 = arith.constant 10 : i32
          %swap3A_624 = arith.index_cast %swap3A_623 : i32 to index
          %swap3A_625 = arith.index_cast %mul3A_622 : i32 to index
          %swap3A_626 = tpu.vector_load %arg10[%swap3A_624, %swap3A_625] {strides = array<i32>} : memref<16x1024xf32, #tpu.memory_space<vmem>>, vector<16xf32>,
          tpu.vector_store %arg10[%swap3A_624, %swap3A_625], %mul3A_620 {strides = array<i32>} : memref<16x1024xf32, #tpu.memory_space<vmem>>, vector<16xf32>,
          %gather3A_627 = tpu.vector_load_idx %arg12[%add3A_540, %broadcast_in_dim3A_38] : memref<1024x16xf32, #tpu.memory_space<vmem>>[vector<16xi32>, vector<16xi32>], vector<16xf32>,
          %mul3A_628 = arith.mulf %gather3A_627, %div3A_536 : vector<16xf32>
          %mul3A_629 = arith.constant 16 : i32
          %mul3A_630 = arith.muli %scan3A_524, %mul3A_629 : i32
          %swap3A_631 = arith.constant 11 : i32
          %swap3A_632 = arith.index_cast %swap3A_631 : i32 to index
          %swap3A_633 = arith.index_cast %mul3A_630 : i32 to index
          %swap3A_634 = tpu.vector_load %arg10[%swap3A_632, %swap3A_633] {strides = array<i32>} : memref<16x1024xf32, #tpu.memory_space<vmem>>, vector<16xf32>,
          tpu.vector_store %arg10[%swap3A_632, %swap3A_633], %mul3A_628 {strides = array<i32>} : memref<16x1024xf32, #tpu.memory_space<vmem>>, vector<16xf32>,
          %gather3A_635 = tpu.vector_load_idx %arg12[%add3A_540, %broadcast_in_dim3A_40] : memref<1024x16xf32, #tpu.memory_space<vmem>>[vector<16xi32>, vector<16xi32>], vector<16xf32>,
          %mul3A_636 = arith.mulf %gather3A_635, %div3A_536 : vector<16xf32>
          %mul3A_637 = arith.constant 16 : i32
          %mul3A_638 = arith.muli %scan3A_524, %mul3A_637 : i32
          %swap3A_639 = arith.constant 12 : i32
          %swap3A_640 = arith.index_cast %swap3A_639 : i32 to index
          %swap3A_641 = arith.index_cast %mul3A_638 : i32 to index
          %swap3A_642 = tpu.vector_load %arg10[%swap3A_640, %swap3A_641] {strides = array<i32>} : memref<16x1024xf32, #tpu.memory_space<vmem>>, vector<16xf32>,
          tpu.vector_store %arg10[%swap3A_640, %swap3A_641], %mul3A_636 {strides = array<i32>} : memref<16x1024xf32, #tpu.memory_space<vmem>>, vector<16xf32>,
          %gather3A_643 = tpu.vector_load_idx %arg12[%add3A_540, %broadcast_in_dim3A_42] : memref<1024x16xf32, #tpu.memory_space<vmem>>[vector<16xi32>, vector<16xi32>], vector<16xf32>,
          %mul3A_644 = arith.mulf %gather3A_643, %div3A_536 : vector<16xf32>
          %mul3A_645 = arith.constant 16 : i32
          %mul3A_646 = arith.muli %scan3A_524, %mul3A_645 : i32
          %swap3A_647 = arith.constant 13 : i32
          %swap3A_648 = arith.index_cast %swap3A_647 : i32 to index
          %swap3A_649 = arith.index_cast %mul3A_646 : i32 to index
          %swap3A_650 = tpu.vector_load %arg10[%swap3A_648, %swap3A_649] {strides = array<i32>} : memref<16x1024xf32, #tpu.memory_space<vmem>>, vector<16xf32>,
          tpu.vector_store %arg10[%swap3A_648, %swap3A_649], %mul3A_644 {strides = array<i32>} : memref<16x1024xf32, #tpu.memory_space<vmem>>, vector<16xf32>,
          %gather3A_651 = tpu.vector_load_idx %arg12[%add3A_540, %broadcast_in_dim3A_44] : memref<1024x16xf32, #tpu.memory_space<vmem>>[vector<16xi32>, vector<16xi32>], vector<16xf32>,
          %mul3A_652 = arith.mulf %gather3A_651, %div3A_536 : vector<16xf32>
          %mul3A_653 = arith.constant 16 : i32
          %mul3A_654 = arith.muli %scan3A_524, %mul3A_653 : i32
          %swap3A_655 = arith.constant 14 : i32
          %swap3A_656 = arith.index_cast %swap3A_655 : i32 to index
          %swap3A_657 = arith.index_cast %mul3A_654 : i32 to index
          %swap3A_658 = tpu.vector_load %arg10[%swap3A_656, %swap3A_657] {strides = array<i32>} : memref<16x1024xf32, #tpu.memory_space<vmem>>, vector<16xf32>,
          tpu.vector_store %arg10[%swap3A_656, %swap3A_657], %mul3A_652 {strides = array<i32>} : memref<16x1024xf32, #tpu.memory_space<vmem>>, vector<16xf32>,
          %gather3A_659 = tpu.vector_load_idx %arg12[%add3A_540, %broadcast_in_dim3A_46] : memref<1024x16xf32, #tpu.memory_space<vmem>>[vector<16xi32>, vector<16xi32>], vector<16xf32>,
          %mul3A_660 = arith.mulf %gather3A_659, %div3A_536 : vector<16xf32>
          %mul3A_661 = arith.constant 16 : i32
          %mul3A_662 = arith.muli %scan3A_524, %mul3A_661 : i32
          %swap3A_663 = arith.constant 15 : i32
          %swap3A_664 = arith.index_cast %swap3A_663 : i32 to index
          %swap3A_665 = arith.index_cast %mul3A_662 : i32 to index
          %swap3A_666 = tpu.vector_load %arg10[%swap3A_664, %swap3A_665] {strides = array<i32>} : memref<16x1024xf32, #tpu.memory_space<vmem>>, vector<16xf32>,
          tpu.vector_store %arg10[%swap3A_664, %swap3A_665], %mul3A_660 {strides = array<i32>} : memref<16x1024xf32, #tpu.memory_space<vmem>>, vector<16xf32>,
          %scan3A_667 = arith.constant 0 : i32
          scf.yield %scan3A_667 : i32
        }
        %scan3A_107 = arith.constant 64 : i32
        %mul3A_108 = arith.constant 1024 : i32
        %mul3A_109 = arith.muli %scan3A_97, %mul3A_108 : i32
        %dma_start3A = arith.constant 0 : i32
        %dma_start3A_110 = arith.constant 0 : i32
        %dma_start3A_111 = arith.constant 0 : i32
        %dma_start3A_112 = tpu.memref_slice %arg10[%dma_start3A, %dma_start3A_111] : memref<16x1024xf32, #tpu.memory_space<vmem>> -> memref<1x1024xf32, #tpu.memory_space<vmem>>
        %dma_start3A_113 = tpu.memref_squeeze %dma_start3A_112 : memref<1x1024xf32, #tpu.memory_space<vmem>> -> memref<1024xf32, #tpu.memory_space<vmem>>
        %dma_start3A_114 = tpu.memref_slice %arg5[%scan3A_54, %arg0, %dma_start3A_110, %arg1, %mul3A_109] : memref<8x2x16x16x4096xf32, #tpu.memory_space<hbm>> -> memref<1x1x1x1x1024xf32, #tpu.memory_space<hbm>>
        %dma_start3A_115 = tpu.memref_squeeze %dma_start3A_114 : memref<1x1x1x1x1024xf32, #tpu.memory_space<hbm>> -> memref<1024xf32, #tpu.memory_space<hbm>>
        %dma_start3A_116 = tpu.memref_slice %arg5[%scan3A_54, %arg0, %dma_start3A_110, %arg1, %mul3A_109] : memref<8x2x16x16x4096xf32, #tpu.memory_space<hbm>> -> memref<1x1x1x1x1024xf32, #tpu.memory_space<hbm>>
        %dma_start3A_117 = tpu.memref_squeeze %dma_start3A_116 : memref<1x1x1x1x1024xf32, #tpu.memory_space<hbm>> -> memref<1024xf32, #tpu.memory_space<hbm>>
        %dma_start3A_118 = arith.constant 0 : i32
        %dma_start3A_119 = tpu.memref_slice %arg10[%dma_start3A, %dma_start3A_118] : memref<16x1024xf32, #tpu.memory_space<vmem>> -> memref<1x1024xf32, #tpu.memory_space<vmem>>
        %dma_start3A_120 = tpu.memref_squeeze %dma_start3A_119 : memref<1x1024xf32, #tpu.memory_space<vmem>> -> memref<1024xf32, #tpu.memory_space<vmem>>
        tpu.enqueue_dma source(%dma_start3A_120 : memref<1024xf32, #tpu.memory_space<vmem>>) target(%dma_start3A_117 : memref<1024xf32, #tpu.memory_space<hbm>>) target_semaphore(%arg14 : memref<!tpu.dma_semaphore, #tpu.memory_space<semaphore_mem>>)
        %mul3A_121 = arith.constant 1024 : i32
        %mul3A_122 = arith.muli %scan3A_97, %mul3A_121 : i32
        %dma_start3A_123 = arith.constant 1 : i32
        %dma_start3A_124 = arith.constant 1 : i32
        %dma_start3A_125 = arith.constant 0 : i32
        %dma_start3A_126 = tpu.memref_slice %arg10[%dma_start3A_123, %dma_start3A_125] : memref<16x1024xf32, #tpu.memory_space<vmem>> -> memref<1x1024xf32, #tpu.memory_space<vmem>>
        %dma_start3A_127 = tpu.memref_squeeze %dma_start3A_126 : memref<1x1024xf32, #tpu.memory_space<vmem>> -> memref<1024xf32, #tpu.memory_space<vmem>>
        %dma_start3A_128 = tpu.memref_slice %arg5[%scan3A_54, %arg0, %dma_start3A_124, %arg1, %mul3A_122] : memref<8x2x16x16x4096xf32, #tpu.memory_space<hbm>> -> memref<1x1x1x1x1024xf32, #tpu.memory_space<hbm>>
        %dma_start3A_129 = tpu.memref_squeeze %dma_start3A_128 : memref<1x1x1x1x1024xf32, #tpu.memory_space<hbm>> -> memref<1024xf32, #tpu.memory_space<hbm>>
        %dma_start3A_130 = tpu.memref_slice %arg5[%scan3A_54, %arg0, %dma_start3A_124, %arg1, %mul3A_122] : memref<8x2x16x16x4096xf32, #tpu.memory_space<hbm>> -> memref<1x1x1x1x1024xf32, #tpu.memory_space<hbm>>
        %dma_start3A_131 = tpu.memref_squeeze %dma_start3A_130 : memref<1x1x1x1x1024xf32, #tpu.memory_space<hbm>> -> memref<1024xf32, #tpu.memory_space<hbm>>
        %dma_start3A_132 = arith.constant 0 : i32
        %dma_start3A_133 = tpu.memref_slice %arg10[%dma_start3A_123, %dma_start3A_132] : memref<16x1024xf32, #tpu.memory_space<vmem>> -> memref<1x1024xf32, #tpu.memory_space<vmem>>
        %dma_start3A_134 = tpu.memref_squeeze %dma_start3A_133 : memref<1x1024xf32, #tpu.memory_space<vmem>> -> memref<1024xf32, #tpu.memory_space<vmem>>
        tpu.enqueue_dma source(%dma_start3A_134 : memref<1024xf32, #tpu.memory_space<vmem>>) target(%dma_start3A_131 : memref<1024xf32, #tpu.memory_space<hbm>>) target_semaphore(%arg14 : memref<!tpu.dma_semaphore, #tpu.memory_space<semaphore_mem>>)
        %mul3A_135 = arith.constant 1024 : i32
        %mul3A_136 = arith.muli %scan3A_97, %mul3A_135 : i32
        %dma_start3A_137 = arith.constant 2 : i32
        %dma_start3A_138 = arith.constant 2 : i32
        %dma_start3A_139 = arith.constant 0 : i32
        %dma_start3A_140 = tpu.memref_slice %arg10[%dma_start3A_137, %dma_start3A_139] : memref<16x1024xf32, #tpu.memory_space<vmem>> -> memref<1x1024xf32, #tpu.memory_space<vmem>>
        %dma_start3A_141 = tpu.memref_squeeze %dma_start3A_140 : memref<1x1024xf32, #tpu.memory_space<vmem>> -> memref<1024xf32, #tpu.memory_space<vmem>>
        %dma_start3A_142 = tpu.memref_slice %arg5[%scan3A_54, %arg0, %dma_start3A_138, %arg1, %mul3A_136] : memref<8x2x16x16x4096xf32, #tpu.memory_space<hbm>> -> memref<1x1x1x1x1024xf32, #tpu.memory_space<hbm>>
        %dma_start3A_143 = tpu.memref_squeeze %dma_start3A_142 : memref<1x1x1x1x1024xf32, #tpu.memory_space<hbm>> -> memref<1024xf32, #tpu.memory_space<hbm>>
        %dma_start3A_144 = tpu.memref_slice %arg5[%scan3A_54, %arg0, %dma_start3A_138, %arg1, %mul3A_136] : memref<8x2x16x16x4096xf32, #tpu.memory_space<hbm>> -> memref<1x1x1x1x1024xf32, #tpu.memory_space<hbm>>
        %dma_start3A_145 = tpu.memref_squeeze %dma_start3A_144 : memref<1x1x1x1x1024xf32, #tpu.memory_space<hbm>> -> memref<1024xf32, #tpu.memory_space<hbm>>
        %dma_start3A_146 = arith.constant 0 : i32
        %dma_start3A_147 = tpu.memref_slice %arg10[%dma_start3A_137, %dma_start3A_146] : memref<16x1024xf32, #tpu.memory_space<vmem>> -> memref<1x1024xf32, #tpu.memory_space<vmem>>
        %dma_start3A_148 = tpu.memref_squeeze %dma_start3A_147 : memref<1x1024xf32, #tpu.memory_space<vmem>> -> memref<1024xf32, #tpu.memory_space<vmem>>
        tpu.enqueue_dma source(%dma_start3A_148 : memref<1024xf32, #tpu.memory_space<vmem>>) target(%dma_start3A_145 : memref<1024xf32, #tpu.memory_space<hbm>>) target_semaphore(%arg14 : memref<!tpu.dma_semaphore, #tpu.memory_space<semaphore_mem>>)
        %mul3A_149 = arith.constant 1024 : i32
        %mul3A_150 = arith.muli %scan3A_97, %mul3A_149 : i32
        %dma_start3A_151 = arith.constant 3 : i32
        %dma_start3A_152 = arith.constant 3 : i32
        %dma_start3A_153 = arith.constant 0 : i32
        %dma_start3A_154 = tpu.memref_slice %arg10[%dma_start3A_151, %dma_start3A_153] : memref<16x1024xf32, #tpu.memory_space<vmem>> -> memref<1x1024xf32, #tpu.memory_space<vmem>>
        %dma_start3A_155 = tpu.memref_squeeze %dma_start3A_154 : memref<1x1024xf32, #tpu.memory_space<vmem>> -> memref<1024xf32, #tpu.memory_space<vmem>>
        %dma_start3A_156 = tpu.memref_slice %arg5[%scan3A_54, %arg0, %dma_start3A_152, %arg1, %mul3A_150] : memref<8x2x16x16x4096xf32, #tpu.memory_space<hbm>> -> memref<1x1x1x1x1024xf32, #tpu.memory_space<hbm>>
        %dma_start3A_157 = tpu.memref_squeeze %dma_start3A_156 : memref<1x1x1x1x1024xf32, #tpu.memory_space<hbm>> -> memref<1024xf32, #tpu.memory_space<hbm>>
        %dma_start3A_158 = tpu.memref_slice %arg5[%scan3A_54, %arg0, %dma_start3A_152, %arg1, %mul3A_150] : memref<8x2x16x16x4096xf32, #tpu.memory_space<hbm>> -> memref<1x1x1x1x1024xf32, #tpu.memory_space<hbm>>
        %dma_start3A_159 = tpu.memref_squeeze %dma_start3A_158 : memref<1x1x1x1x1024xf32, #tpu.memory_space<hbm>> -> memref<1024xf32, #tpu.memory_space<hbm>>
        %dma_start3A_160 = arith.constant 0 : i32
        %dma_start3A_161 = tpu.memref_slice %arg10[%dma_start3A_151, %dma_start3A_160] : memref<16x1024xf32, #tpu.memory_space<vmem>> -> memref<1x1024xf32, #tpu.memory_space<vmem>>
        %dma_start3A_162 = tpu.memref_squeeze %dma_start3A_161 : memref<1x1024xf32, #tpu.memory_space<vmem>> -> memref<1024xf32, #tpu.memory_space<vmem>>
        tpu.enqueue_dma source(%dma_start3A_162 : memref<1024xf32, #tpu.memory_space<vmem>>) target(%dma_start3A_159 : memref<1024xf32, #tpu.memory_space<hbm>>) target_semaphore(%arg14 : memref<!tpu.dma_semaphore, #tpu.memory_space<semaphore_mem>>)
        %mul3A_163 = arith.constant 1024 : i32
        %mul3A_164 = arith.muli %scan3A_97, %mul3A_163 : i32
        %dma_start3A_165 = arith.constant 4 : i32
        %dma_start3A_166 = arith.constant 4 : i32
        %dma_start3A_167 = arith.constant 0 : i32
        %dma_start3A_168 = tpu.memref_slice %arg10[%dma_start3A_165, %dma_start3A_167] : memref<16x1024xf32, #tpu.memory_space<vmem>> -> memref<1x1024xf32, #tpu.memory_space<vmem>>
        %dma_start3A_169 = tpu.memref_squeeze %dma_start3A_168 : memref<1x1024xf32, #tpu.memory_space<vmem>> -> memref<1024xf32, #tpu.memory_space<vmem>>
        %dma_start3A_170 = tpu.memref_slice %arg5[%scan3A_54, %arg0, %dma_start3A_166, %arg1, %mul3A_164] : memref<8x2x16x16x4096xf32, #tpu.memory_space<hbm>> -> memref<1x1x1x1x1024xf32, #tpu.memory_space<hbm>>
        %dma_start3A_171 = tpu.memref_squeeze %dma_start3A_170 : memref<1x1x1x1x1024xf32, #tpu.memory_space<hbm>> -> memref<1024xf32, #tpu.memory_space<hbm>>
        %dma_start3A_172 = tpu.memref_slice %arg5[%scan3A_54, %arg0, %dma_start3A_166, %arg1, %mul3A_164] : memref<8x2x16x16x4096xf32, #tpu.memory_space<hbm>> -> memref<1x1x1x1x1024xf32, #tpu.memory_space<hbm>>
        %dma_start3A_173 = tpu.memref_squeeze %dma_start3A_172 : memref<1x1x1x1x1024xf32, #tpu.memory_space<hbm>> -> memref<1024xf32, #tpu.memory_space<hbm>>
        %dma_start3A_174 = arith.constant 0 : i32
        %dma_start3A_175 = tpu.memref_slice %arg10[%dma_start3A_165, %dma_start3A_174] : memref<16x1024xf32, #tpu.memory_space<vmem>> -> memref<1x1024xf32, #tpu.memory_space<vmem>>
        %dma_start3A_176 = tpu.memref_squeeze %dma_start3A_175 : memref<1x1024xf32, #tpu.memory_space<vmem>> -> memref<1024xf32, #tpu.memory_space<vmem>>
        tpu.enqueue_dma source(%dma_start3A_176 : memref<1024xf32, #tpu.memory_space<vmem>>) target(%dma_start3A_173 : memref<1024xf32, #tpu.memory_space<hbm>>) target_semaphore(%arg14 : memref<!tpu.dma_semaphore, #tpu.memory_space<semaphore_mem>>)
        %mul3A_177 = arith.constant 1024 : i32
        %mul3A_178 = arith.muli %scan3A_97, %mul3A_177 : i32
        %dma_start3A_179 = arith.constant 5 : i32
        %dma_start3A_180 = arith.constant 5 : i32
        %dma_start3A_181 = arith.constant 0 : i32
        %dma_start3A_182 = tpu.memref_slice %arg10[%dma_start3A_179, %dma_start3A_181] : memref<16x1024xf32, #tpu.memory_space<vmem>> -> memref<1x1024xf32, #tpu.memory_space<vmem>>
        %dma_start3A_183 = tpu.memref_squeeze %dma_start3A_182 : memref<1x1024xf32, #tpu.memory_space<vmem>> -> memref<1024xf32, #tpu.memory_space<vmem>>
        %dma_start3A_184 = tpu.memref_slice %arg5[%scan3A_54, %arg0, %dma_start3A_180, %arg1, %mul3A_178] : memref<8x2x16x16x4096xf32, #tpu.memory_space<hbm>> -> memref<1x1x1x1x1024xf32, #tpu.memory_space<hbm>>
        %dma_start3A_185 = tpu.memref_squeeze %dma_start3A_184 : memref<1x1x1x1x1024xf32, #tpu.memory_space<hbm>> -> memref<1024xf32, #tpu.memory_space<hbm>>
        %dma_start3A_186 = tpu.memref_slice %arg5[%scan3A_54, %arg0, %dma_start3A_180, %arg1, %mul3A_178] : memref<8x2x16x16x4096xf32, #tpu.memory_space<hbm>> -> memref<1x1x1x1x1024xf32, #tpu.memory_space<hbm>>
        %dma_start3A_187 = tpu.memref_squeeze %dma_start3A_186 : memref<1x1x1x1x1024xf32, #tpu.memory_space<hbm>> -> memref<1024xf32, #tpu.memory_space<hbm>>
        %dma_start3A_188 = arith.constant 0 : i32
        %dma_start3A_189 = tpu.memref_slice %arg10[%dma_start3A_179, %dma_start3A_188] : memref<16x1024xf32, #tpu.memory_space<vmem>> -> memref<1x1024xf32, #tpu.memory_space<vmem>>
        %dma_start3A_190 = tpu.memref_squeeze %dma_start3A_189 : memref<1x1024xf32, #tpu.memory_space<vmem>> -> memref<1024xf32, #tpu.memory_space<vmem>>
        tpu.enqueue_dma source(%dma_start3A_190 : memref<1024xf32, #tpu.memory_space<vmem>>) target(%dma_start3A_187 : memref<1024xf32, #tpu.memory_space<hbm>>) target_semaphore(%arg14 : memref<!tpu.dma_semaphore, #tpu.memory_space<semaphore_mem>>)
        %mul3A_191 = arith.constant 1024 : i32
        %mul3A_192 = arith.muli %scan3A_97, %mul3A_191 : i32
        %dma_start3A_193 = arith.constant 6 : i32
        %dma_start3A_194 = arith.constant 6 : i32
        %dma_start3A_195 = arith.constant 0 : i32
        %dma_start3A_196 = tpu.memref_slice %arg10[%dma_start3A_193, %dma_start3A_195] : memref<16x1024xf32, #tpu.memory_space<vmem>> -> memref<1x1024xf32, #tpu.memory_space<vmem>>
        %dma_start3A_197 = tpu.memref_squeeze %dma_start3A_196 : memref<1x1024xf32, #tpu.memory_space<vmem>> -> memref<1024xf32, #tpu.memory_space<vmem>>
        %dma_start3A_198 = tpu.memref_slice %arg5[%scan3A_54, %arg0, %dma_start3A_194, %arg1, %mul3A_192] : memref<8x2x16x16x4096xf32, #tpu.memory_space<hbm>> -> memref<1x1x1x1x1024xf32, #tpu.memory_space<hbm>>
        %dma_start3A_199 = tpu.memref_squeeze %dma_start3A_198 : memref<1x1x1x1x1024xf32, #tpu.memory_space<hbm>> -> memref<1024xf32, #tpu.memory_space<hbm>>
        %dma_start3A_200 = tpu.memref_slice %arg5[%scan3A_54, %arg0, %dma_start3A_194, %arg1, %mul3A_192] : memref<8x2x16x16x4096xf32, #tpu.memory_space<hbm>> -> memref<1x1x1x1x1024xf32, #tpu.memory_space<hbm>>
        %dma_start3A_201 = tpu.memref_squeeze %dma_start3A_200 : memref<1x1x1x1x1024xf32, #tpu.memory_space<hbm>> -> memref<1024xf32, #tpu.memory_space<hbm>>
        %dma_start3A_202 = arith.constant 0 : i32
        %dma_start3A_203 = tpu.memref_slice %arg10[%dma_start3A_193, %dma_start3A_202] : memref<16x1024xf32, #tpu.memory_space<vmem>> -> memref<1x1024xf32, #tpu.memory_space<vmem>>
        %dma_start3A_204 = tpu.memref_squeeze %dma_start3A_203 : memref<1x1024xf32, #tpu.memory_space<vmem>> -> memref<1024xf32, #tpu.memory_space<vmem>>
        tpu.enqueue_dma source(%dma_start3A_204 : memref<1024xf32, #tpu.memory_space<vmem>>) target(%dma_start3A_201 : memref<1024xf32, #tpu.memory_space<hbm>>) target_semaphore(%arg14 : memref<!tpu.dma_semaphore, #tpu.memory_space<semaphore_mem>>)
        %mul3A_205 = arith.constant 1024 : i32
        %mul3A_206 = arith.muli %scan3A_97, %mul3A_205 : i32
        %dma_start3A_207 = arith.constant 7 : i32
        %dma_start3A_208 = arith.constant 7 : i32
        %dma_start3A_209 = arith.constant 0 : i32
        %dma_start3A_210 = tpu.memref_slice %arg10[%dma_start3A_207, %dma_start3A_209] : memref<16x1024xf32, #tpu.memory_space<vmem>> -> memref<1x1024xf32, #tpu.memory_space<vmem>>
        %dma_start3A_211 = tpu.memref_squeeze %dma_start3A_210 : memref<1x1024xf32, #tpu.memory_space<vmem>> -> memref<1024xf32, #tpu.memory_space<vmem>>
        %dma_start3A_212 = tpu.memref_slice %arg5[%scan3A_54, %arg0, %dma_start3A_208, %arg1, %mul3A_206] : memref<8x2x16x16x4096xf32, #tpu.memory_space<hbm>> -> memref<1x1x1x1x1024xf32, #tpu.memory_space<hbm>>
        %dma_start3A_213 = tpu.memref_squeeze %dma_start3A_212 : memref<1x1x1x1x1024xf32, #tpu.memory_space<hbm>> -> memref<1024xf32, #tpu.memory_space<hbm>>
        %dma_start3A_214 = tpu.memref_slice %arg5[%scan3A_54, %arg0, %dma_start3A_208, %arg1, %mul3A_206] : memref<8x2x16x16x4096xf32, #tpu.memory_space<hbm>> -> memref<1x1x1x1x1024xf32, #tpu.memory_space<hbm>>
        %dma_start3A_215 = tpu.memref_squeeze %dma_start3A_214 : memref<1x1x1x1x1024xf32, #tpu.memory_space<hbm>> -> memref<1024xf32, #tpu.memory_space<hbm>>
        %dma_start3A_216 = arith.constant 0 : i32
        %dma_start3A_217 = tpu.memref_slice %arg10[%dma_start3A_207, %dma_start3A_216] : memref<16x1024xf32, #tpu.memory_space<vmem>> -> memref<1x1024xf32, #tpu.memory_space<vmem>>
        %dma_start3A_218 = tpu.memref_squeeze %dma_start3A_217 : memref<1x1024xf32, #tpu.memory_space<vmem>> -> memref<1024xf32, #tpu.memory_space<vmem>>
        tpu.enqueue_dma source(%dma_start3A_218 : memref<1024xf32, #tpu.memory_space<vmem>>) target(%dma_start3A_215 : memref<1024xf32, #tpu.memory_space<hbm>>) target_semaphore(%arg14 : memref<!tpu.dma_semaphore, #tpu.memory_space<semaphore_mem>>)
        %mul3A_219 = arith.constant 1024 : i32
        %mul3A_220 = arith.muli %scan3A_97, %mul3A_219 : i32
        %dma_start3A_221 = arith.constant 8 : i32
        %dma_start3A_222 = arith.constant 8 : i32
        %dma_start3A_223 = arith.constant 0 : i32
        %dma_start3A_224 = tpu.memref_slice %arg10[%dma_start3A_221, %dma_start3A_223] : memref<16x1024xf32, #tpu.memory_space<vmem>> -> memref<1x1024xf32, #tpu.memory_space<vmem>>
        %dma_start3A_225 = tpu.memref_squeeze %dma_start3A_224 : memref<1x1024xf32, #tpu.memory_space<vmem>> -> memref<1024xf32, #tpu.memory_space<vmem>>
        %dma_start3A_226 = tpu.memref_slice %arg5[%scan3A_54, %arg0, %dma_start3A_222, %arg1, %mul3A_220] : memref<8x2x16x16x4096xf32, #tpu.memory_space<hbm>> -> memref<1x1x1x1x1024xf32, #tpu.memory_space<hbm>>
        %dma_start3A_227 = tpu.memref_squeeze %dma_start3A_226 : memref<1x1x1x1x1024xf32, #tpu.memory_space<hbm>> -> memref<1024xf32, #tpu.memory_space<hbm>>
        %dma_start3A_228 = tpu.memref_slice %arg5[%scan3A_54, %arg0, %dma_start3A_222, %arg1, %mul3A_220] : memref<8x2x16x16x4096xf32, #tpu.memory_space<hbm>> -> memref<1x1x1x1x1024xf32, #tpu.memory_space<hbm>>
        %dma_start3A_229 = tpu.memref_squeeze %dma_start3A_228 : memref<1x1x1x1x1024xf32, #tpu.memory_space<hbm>> -> memref<1024xf32, #tpu.memory_space<hbm>>
        %dma_start3A_230 = arith.constant 0 : i32
        %dma_start3A_231 = tpu.memref_slice %arg10[%dma_start3A_221, %dma_start3A_230] : memref<16x1024xf32, #tpu.memory_space<vmem>> -> memref<1x1024xf32, #tpu.memory_space<vmem>>
        %dma_start3A_232 = tpu.memref_squeeze %dma_start3A_231 : memref<1x1024xf32, #tpu.memory_space<vmem>> -> memref<1024xf32, #tpu.memory_space<vmem>>
        tpu.enqueue_dma source(%dma_start3A_232 : memref<1024xf32, #tpu.memory_space<vmem>>) target(%dma_start3A_229 : memref<1024xf32, #tpu.memory_space<hbm>>) target_semaphore(%arg14 : memref<!tpu.dma_semaphore, #tpu.memory_space<semaphore_mem>>)
        %mul3A_233 = arith.constant 1024 : i32
        %mul3A_234 = arith.muli %scan3A_97, %mul3A_233 : i32
        %dma_start3A_235 = arith.constant 9 : i32
        %dma_start3A_236 = arith.constant 9 : i32
        %dma_start3A_237 = arith.constant 0 : i32
        %dma_start3A_238 = tpu.memref_slice %arg10[%dma_start3A_235, %dma_start3A_237] : memref<16x1024xf32, #tpu.memory_space<vmem>> -> memref<1x1024xf32, #tpu.memory_space<vmem>>
        %dma_start3A_239 = tpu.memref_squeeze %dma_start3A_238 : memref<1x1024xf32, #tpu.memory_space<vmem>> -> memref<1024xf32, #tpu.memory_space<vmem>>
        %dma_start3A_240 = tpu.memref_slice %arg5[%scan3A_54, %arg0, %dma_start3A_236, %arg1, %mul3A_234] : memref<8x2x16x16x4096xf32, #tpu.memory_space<hbm>> -> memref<1x1x1x1x1024xf32, #tpu.memory_space<hbm>>
        %dma_start3A_241 = tpu.memref_squeeze %dma_start3A_240 : memref<1x1x1x1x1024xf32, #tpu.memory_space<hbm>> -> memref<1024xf32, #tpu.memory_space<hbm>>
        %dma_start3A_242 = tpu.memref_slice %arg5[%scan3A_54, %arg0, %dma_start3A_236, %arg1, %mul3A_234] : memref<8x2x16x16x4096xf32, #tpu.memory_space<hbm>> -> memref<1x1x1x1x1024xf32, #tpu.memory_space<hbm>>
        %dma_start3A_243 = tpu.memref_squeeze %dma_start3A_242 : memref<1x1x1x1x1024xf32, #tpu.memory_space<hbm>> -> memref<1024xf32, #tpu.memory_space<hbm>>
        %dma_start3A_244 = arith.constant 0 : i32
        %dma_start3A_245 = tpu.memref_slice %arg10[%dma_start3A_235, %dma_start3A_244] : memref<16x1024xf32, #tpu.memory_space<vmem>> -> memref<1x1024xf32, #tpu.memory_space<vmem>>
        %dma_start3A_246 = tpu.memref_squeeze %dma_start3A_245 : memref<1x1024xf32, #tpu.memory_space<vmem>> -> memref<1024xf32, #tpu.memory_space<vmem>>
        tpu.enqueue_dma source(%dma_start3A_246 : memref<1024xf32, #tpu.memory_space<vmem>>) target(%dma_start3A_243 : memref<1024xf32, #tpu.memory_space<hbm>>) target_semaphore(%arg14 : memref<!tpu.dma_semaphore, #tpu.memory_space<semaphore_mem>>)
        %mul3A_247 = arith.constant 1024 : i32
        %mul3A_248 = arith.muli %scan3A_97, %mul3A_247 : i32
        %dma_start3A_249 = arith.constant 10 : i32
        %dma_start3A_250 = arith.constant 10 : i32
        %dma_start3A_251 = arith.constant 0 : i32
        %dma_start3A_252 = tpu.memref_slice %arg10[%dma_start3A_249, %dma_start3A_251] : memref<16x1024xf32, #tpu.memory_space<vmem>> -> memref<1x1024xf32, #tpu.memory_space<vmem>>
        %dma_start3A_253 = tpu.memref_squeeze %dma_start3A_252 : memref<1x1024xf32, #tpu.memory_space<vmem>> -> memref<1024xf32, #tpu.memory_space<vmem>>
        %dma_start3A_254 = tpu.memref_slice %arg5[%scan3A_54, %arg0, %dma_start3A_250, %arg1, %mul3A_248] : memref<8x2x16x16x4096xf32, #tpu.memory_space<hbm>> -> memref<1x1x1x1x1024xf32, #tpu.memory_space<hbm>>
        %dma_start3A_255 = tpu.memref_squeeze %dma_start3A_254 : memref<1x1x1x1x1024xf32, #tpu.memory_space<hbm>> -> memref<1024xf32, #tpu.memory_space<hbm>>
        %dma_start3A_256 = tpu.memref_slice %arg5[%scan3A_54, %arg0, %dma_start3A_250, %arg1, %mul3A_248] : memref<8x2x16x16x4096xf32, #tpu.memory_space<hbm>> -> memref<1x1x1x1x1024xf32, #tpu.memory_space<hbm>>
        %dma_start3A_257 = tpu.memref_squeeze %dma_start3A_256 : memref<1x1x1x1x1024xf32, #tpu.memory_space<hbm>> -> memref<1024xf32, #tpu.memory_space<hbm>>
        %dma_start3A_258 = arith.constant 0 : i32
        %dma_start3A_259 = tpu.memref_slice %arg10[%dma_start3A_249, %dma_start3A_258] : memref<16x1024xf32, #tpu.memory_space<vmem>> -> memref<1x1024xf32, #tpu.memory_space<vmem>>
        %dma_start3A_260 = tpu.memref_squeeze %dma_start3A_259 : memref<1x1024xf32, #tpu.memory_space<vmem>> -> memref<1024xf32, #tpu.memory_space<vmem>>
        tpu.enqueue_dma source(%dma_start3A_260 : memref<1024xf32, #tpu.memory_space<vmem>>) target(%dma_start3A_257 : memref<1024xf32, #tpu.memory_space<hbm>>) target_semaphore(%arg14 : memref<!tpu.dma_semaphore, #tpu.memory_space<semaphore_mem>>)
        %mul3A_261 = arith.constant 1024 : i32
        %mul3A_262 = arith.muli %scan3A_97, %mul3A_261 : i32
        %dma_start3A_263 = arith.constant 11 : i32
        %dma_start3A_264 = arith.constant 11 : i32
        %dma_start3A_265 = arith.constant 0 : i32
        %dma_start3A_266 = tpu.memref_slice %arg10[%dma_start3A_263, %dma_start3A_265] : memref<16x1024xf32, #tpu.memory_space<vmem>> -> memref<1x1024xf32, #tpu.memory_space<vmem>>
        %dma_start3A_267 = tpu.memref_squeeze %dma_start3A_266 : memref<1x1024xf32, #tpu.memory_space<vmem>> -> memref<1024xf32, #tpu.memory_space<vmem>>
        %dma_start3A_268 = tpu.memref_slice %arg5[%scan3A_54, %arg0, %dma_start3A_264, %arg1, %mul3A_262] : memref<8x2x16x16x4096xf32, #tpu.memory_space<hbm>> -> memref<1x1x1x1x1024xf32, #tpu.memory_space<hbm>>
        %dma_start3A_269 = tpu.memref_squeeze %dma_start3A_268 : memref<1x1x1x1x1024xf32, #tpu.memory_space<hbm>> -> memref<1024xf32, #tpu.memory_space<hbm>>
        %dma_start3A_270 = tpu.memref_slice %arg5[%scan3A_54, %arg0, %dma_start3A_264, %arg1, %mul3A_262] : memref<8x2x16x16x4096xf32, #tpu.memory_space<hbm>> -> memref<1x1x1x1x1024xf32, #tpu.memory_space<hbm>>
        %dma_start3A_271 = tpu.memref_squeeze %dma_start3A_270 : memref<1x1x1x1x1024xf32, #tpu.memory_space<hbm>> -> memref<1024xf32, #tpu.memory_space<hbm>>
        %dma_start3A_272 = arith.constant 0 : i32
        %dma_start3A_273 = tpu.memref_slice %arg10[%dma_start3A_263, %dma_start3A_272] : memref<16x1024xf32, #tpu.memory_space<vmem>> -> memref<1x1024xf32, #tpu.memory_space<vmem>>
        %dma_start3A_274 = tpu.memref_squeeze %dma_start3A_273 : memref<1x1024xf32, #tpu.memory_space<vmem>> -> memref<1024xf32, #tpu.memory_space<vmem>>
        tpu.enqueue_dma source(%dma_start3A_274 : memref<1024xf32, #tpu.memory_space<vmem>>) target(%dma_start3A_271 : memref<1024xf32, #tpu.memory_space<hbm>>) target_semaphore(%arg14 : memref<!tpu.dma_semaphore, #tpu.memory_space<semaphore_mem>>)
        %mul3A_275 = arith.constant 1024 : i32
        %mul3A_276 = arith.muli %scan3A_97, %mul3A_275 : i32
        %dma_start3A_277 = arith.constant 12 : i32
        %dma_start3A_278 = arith.constant 12 : i32
        %dma_start3A_279 = arith.constant 0 : i32
        %dma_start3A_280 = tpu.memref_slice %arg10[%dma_start3A_277, %dma_start3A_279] : memref<16x1024xf32, #tpu.memory_space<vmem>> -> memref<1x1024xf32, #tpu.memory_space<vmem>>
        %dma_start3A_281 = tpu.memref_squeeze %dma_start3A_280 : memref<1x1024xf32, #tpu.memory_space<vmem>> -> memref<1024xf32, #tpu.memory_space<vmem>>
        %dma_start3A_282 = tpu.memref_slice %arg5[%scan3A_54, %arg0, %dma_start3A_278, %arg1, %mul3A_276] : memref<8x2x16x16x4096xf32, #tpu.memory_space<hbm>> -> memref<1x1x1x1x1024xf32, #tpu.memory_space<hbm>>
        %dma_start3A_283 = tpu.memref_squeeze %dma_start3A_282 : memref<1x1x1x1x1024xf32, #tpu.memory_space<hbm>> -> memref<1024xf32, #tpu.memory_space<hbm>>
        %dma_start3A_284 = tpu.memref_slice %arg5[%scan3A_54, %arg0, %dma_start3A_278, %arg1, %mul3A_276] : memref<8x2x16x16x4096xf32, #tpu.memory_space<hbm>> -> memref<1x1x1x1x1024xf32, #tpu.memory_space<hbm>>
        %dma_start3A_285 = tpu.memref_squeeze %dma_start3A_284 : memref<1x1x1x1x1024xf32, #tpu.memory_space<hbm>> -> memref<1024xf32, #tpu.memory_space<hbm>>
        %dma_start3A_286 = arith.constant 0 : i32
        %dma_start3A_287 = tpu.memref_slice %arg10[%dma_start3A_277, %dma_start3A_286] : memref<16x1024xf32, #tpu.memory_space<vmem>> -> memref<1x1024xf32, #tpu.memory_space<vmem>>
        %dma_start3A_288 = tpu.memref_squeeze %dma_start3A_287 : memref<1x1024xf32, #tpu.memory_space<vmem>> -> memref<1024xf32, #tpu.memory_space<vmem>>
        tpu.enqueue_dma source(%dma_start3A_288 : memref<1024xf32, #tpu.memory_space<vmem>>) target(%dma_start3A_285 : memref<1024xf32, #tpu.memory_space<hbm>>) target_semaphore(%arg14 : memref<!tpu.dma_semaphore, #tpu.memory_space<semaphore_mem>>)
        %mul3A_289 = arith.constant 1024 : i32
        %mul3A_290 = arith.muli %scan3A_97, %mul3A_289 : i32
        %dma_start3A_291 = arith.constant 13 : i32
        %dma_start3A_292 = arith.constant 13 : i32
        %dma_start3A_293 = arith.constant 0 : i32
        %dma_start3A_294 = tpu.memref_slice %arg10[%dma_start3A_291, %dma_start3A_293] : memref<16x1024xf32, #tpu.memory_space<vmem>> -> memref<1x1024xf32, #tpu.memory_space<vmem>>
        %dma_start3A_295 = tpu.memref_squeeze %dma_start3A_294 : memref<1x1024xf32, #tpu.memory_space<vmem>> -> memref<1024xf32, #tpu.memory_space<vmem>>
        %dma_start3A_296 = tpu.memref_slice %arg5[%scan3A_54, %arg0, %dma_start3A_292, %arg1, %mul3A_290] : memref<8x2x16x16x4096xf32, #tpu.memory_space<hbm>> -> memref<1x1x1x1x1024xf32, #tpu.memory_space<hbm>>
        %dma_start3A_297 = tpu.memref_squeeze %dma_start3A_296 : memref<1x1x1x1x1024xf32, #tpu.memory_space<hbm>> -> memref<1024xf32, #tpu.memory_space<hbm>>
        %dma_start3A_298 = tpu.memref_slice %arg5[%scan3A_54, %arg0, %dma_start3A_292, %arg1, %mul3A_290] : memref<8x2x16x16x4096xf32, #tpu.memory_space<hbm>> -> memref<1x1x1x1x1024xf32, #tpu.memory_space<hbm>>
        %dma_start3A_299 = tpu.memref_squeeze %dma_start3A_298 : memref<1x1x1x1x1024xf32, #tpu.memory_space<hbm>> -> memref<1024xf32, #tpu.memory_space<hbm>>
        %dma_start3A_300 = arith.constant 0 : i32
        %dma_start3A_301 = tpu.memref_slice %arg10[%dma_start3A_291, %dma_start3A_300] : memref<16x1024xf32, #tpu.memory_space<vmem>> -> memref<1x1024xf32, #tpu.memory_space<vmem>>
        %dma_start3A_302 = tpu.memref_squeeze %dma_start3A_301 : memref<1x1024xf32, #tpu.memory_space<vmem>> -> memref<1024xf32, #tpu.memory_space<vmem>>
        tpu.enqueue_dma source(%dma_start3A_302 : memref<1024xf32, #tpu.memory_space<vmem>>) target(%dma_start3A_299 : memref<1024xf32, #tpu.memory_space<hbm>>) target_semaphore(%arg14 : memref<!tpu.dma_semaphore, #tpu.memory_space<semaphore_mem>>)
        %mul3A_303 = arith.constant 1024 : i32
        %mul3A_304 = arith.muli %scan3A_97, %mul3A_303 : i32
        %dma_start3A_305 = arith.constant 14 : i32
        %dma_start3A_306 = arith.constant 14 : i32
        %dma_start3A_307 = arith.constant 0 : i32
        %dma_start3A_308 = tpu.memref_slice %arg10[%dma_start3A_305, %dma_start3A_307] : memref<16x1024xf32, #tpu.memory_space<vmem>> -> memref<1x1024xf32, #tpu.memory_space<vmem>>
        %dma_start3A_309 = tpu.memref_squeeze %dma_start3A_308 : memref<1x1024xf32, #tpu.memory_space<vmem>> -> memref<1024xf32, #tpu.memory_space<vmem>>
        %dma_start3A_310 = tpu.memref_slice %arg5[%scan3A_54, %arg0, %dma_start3A_306, %arg1, %mul3A_304] : memref<8x2x16x16x4096xf32, #tpu.memory_space<hbm>> -> memref<1x1x1x1x1024xf32, #tpu.memory_space<hbm>>
        %dma_start3A_311 = tpu.memref_squeeze %dma_start3A_310 : memref<1x1x1x1x1024xf32, #tpu.memory_space<hbm>> -> memref<1024xf32, #tpu.memory_space<hbm>>
        %dma_start3A_312 = tpu.memref_slice %arg5[%scan3A_54, %arg0, %dma_start3A_306, %arg1, %mul3A_304] : memref<8x2x16x16x4096xf32, #tpu.memory_space<hbm>> -> memref<1x1x1x1x1024xf32, #tpu.memory_space<hbm>>
        %dma_start3A_313 = tpu.memref_squeeze %dma_start3A_312 : memref<1x1x1x1x1024xf32, #tpu.memory_space<hbm>> -> memref<1024xf32, #tpu.memory_space<hbm>>
        %dma_start3A_314 = arith.constant 0 : i32
        %dma_start3A_315 = tpu.memref_slice %arg10[%dma_start3A_305, %dma_start3A_314] : memref<16x1024xf32, #tpu.memory_space<vmem>> -> memref<1x1024xf32, #tpu.memory_space<vmem>>
        %dma_start3A_316 = tpu.memref_squeeze %dma_start3A_315 : memref<1x1024xf32, #tpu.memory_space<vmem>> -> memref<1024xf32, #tpu.memory_space<vmem>>
        tpu.enqueue_dma source(%dma_start3A_316 : memref<1024xf32, #tpu.memory_space<vmem>>) target(%dma_start3A_313 : memref<1024xf32, #tpu.memory_space<hbm>>) target_semaphore(%arg14 : memref<!tpu.dma_semaphore, #tpu.memory_space<semaphore_mem>>)
        %mul3A_317 = arith.constant 1024 : i32
        %mul3A_318 = arith.muli %scan3A_97, %mul3A_317 : i32
        %dma_start3A_319 = arith.constant 15 : i32
        %dma_start3A_320 = arith.constant 15 : i32
        %dma_start3A_321 = arith.constant 0 : i32
        %dma_start3A_322 = tpu.memref_slice %arg10[%dma_start3A_319, %dma_start3A_321] : memref<16x1024xf32, #tpu.memory_space<vmem>> -> memref<1x1024xf32, #tpu.memory_space<vmem>>
        %dma_start3A_323 = tpu.memref_squeeze %dma_start3A_322 : memref<1x1024xf32, #tpu.memory_space<vmem>> -> memref<1024xf32, #tpu.memory_space<vmem>>
        %dma_start3A_324 = tpu.memref_slice %arg5[%scan3A_54, %arg0, %dma_start3A_320, %arg1, %mul3A_318] : memref<8x2x16x16x4096xf32, #tpu.memory_space<hbm>> -> memref<1x1x1x1x1024xf32, #tpu.memory_space<hbm>>
        %dma_start3A_325 = tpu.memref_squeeze %dma_start3A_324 : memref<1x1x1x1x1024xf32, #tpu.memory_space<hbm>> -> memref<1024xf32, #tpu.memory_space<hbm>>
        %dma_start3A_326 = tpu.memref_slice %arg5[%scan3A_54, %arg0, %dma_start3A_320, %arg1, %mul3A_318] : memref<8x2x16x16x4096xf32, #tpu.memory_space<hbm>> -> memref<1x1x1x1x1024xf32, #tpu.memory_space<hbm>>
        %dma_start3A_327 = tpu.memref_squeeze %dma_start3A_326 : memref<1x1x1x1x1024xf32, #tpu.memory_space<hbm>> -> memref<1024xf32, #tpu.memory_space<hbm>>
        %dma_start3A_328 = arith.constant 0 : i32
        %dma_start3A_329 = tpu.memref_slice %arg10[%dma_start3A_319, %dma_start3A_328] : memref<16x1024xf32, #tpu.memory_space<vmem>> -> memref<1x1024xf32, #tpu.memory_space<vmem>>
        %dma_start3A_330 = tpu.memref_squeeze %dma_start3A_329 : memref<1x1024xf32, #tpu.memory_space<vmem>> -> memref<1024xf32, #tpu.memory_space<vmem>>
        tpu.enqueue_dma source(%dma_start3A_330 : memref<1024xf32, #tpu.memory_space<vmem>>) target(%dma_start3A_327 : memref<1024xf32, #tpu.memory_space<hbm>>) target_semaphore(%arg14 : memref<!tpu.dma_semaphore, #tpu.memory_space<semaphore_mem>>)
        %dma_wait3A_331 = arith.constant 0 : i32
        %dma_wait3A_332 = arith.constant 0 : i32
        %dma_wait3A_333 = arith.constant 0 : i32
        %dma_wait3A_334 = tpu.memref_slice %arg10[%dma_wait3A_331, %dma_wait3A_333] : memref<16x1024xf32, #tpu.memory_space<vmem>> -> memref<1x1024xf32, #tpu.memory_space<vmem>>
        %dma_wait3A_335 = tpu.memref_squeeze %dma_wait3A_334 : memref<1x1024xf32, #tpu.memory_space<vmem>> -> memref<1024xf32, #tpu.memory_space<vmem>>
        %dma_wait3A_336 = tpu.memref_slice %arg5[%scan3A_54, %arg0, %dma_wait3A_332, %arg1, %mul3A_109] : memref<8x2x16x16x4096xf32, #tpu.memory_space<hbm>> -> memref<1x1x1x1x1024xf32, #tpu.memory_space<hbm>>
        %dma_wait3A_337 = tpu.memref_squeeze %dma_wait3A_336 : memref<1x1x1x1x1024xf32, #tpu.memory_space<hbm>> -> memref<1024xf32, #tpu.memory_space<hbm>>
        %dma_wait3A_338 = tpu.memref_slice %arg5[%scan3A_54, %arg0, %dma_wait3A_332, %arg1, %mul3A_109] : memref<8x2x16x16x4096xf32, #tpu.memory_space<hbm>> -> memref<1x1x1x1x1024xf32, #tpu.memory_space<hbm>>
        %dma_wait3A_339 = tpu.memref_squeeze %dma_wait3A_338 : memref<1x1x1x1x1024xf32, #tpu.memory_space<hbm>> -> memref<1024xf32, #tpu.memory_space<hbm>>
        %dma_wait3A_340 = arith.constant 0 : i32
        %dma_wait3A_341 = tpu.memref_slice %arg10[%dma_wait3A_331, %dma_wait3A_340] : memref<16x1024xf32, #tpu.memory_space<vmem>> -> memref<1x1024xf32, #tpu.memory_space<vmem>>
        %dma_wait3A_342 = tpu.memref_squeeze %dma_wait3A_341 : memref<1x1024xf32, #tpu.memory_space<vmem>> -> memref<1024xf32, #tpu.memory_space<vmem>>
        tpu.wait_dma2 semaphore(%arg14 : memref<!tpu.dma_semaphore, #tpu.memory_space<semaphore_mem>>) src(%dma_wait3A_342 : memref<1024xf32, #tpu.memory_space<vmem>>) dst(%dma_wait3A_339 : memref<1024xf32, #tpu.memory_space<hbm>>)
        %dma_wait3A_343 = arith.constant 1 : i32
        %dma_wait3A_344 = arith.constant 1 : i32
        %dma_wait3A_345 = arith.constant 0 : i32
        %dma_wait3A_346 = tpu.memref_slice %arg10[%dma_wait3A_343, %dma_wait3A_345] : memref<16x1024xf32, #tpu.memory_space<vmem>> -> memref<1x1024xf32, #tpu.memory_space<vmem>>
        %dma_wait3A_347 = tpu.memref_squeeze %dma_wait3A_346 : memref<1x1024xf32, #tpu.memory_space<vmem>> -> memref<1024xf32, #tpu.memory_space<vmem>>
        %dma_wait3A_348 = tpu.memref_slice %arg5[%scan3A_54, %arg0, %dma_wait3A_344, %arg1, %mul3A_122] : memref<8x2x16x16x4096xf32, #tpu.memory_space<hbm>> -> memref<1x1x1x1x1024xf32, #tpu.memory_space<hbm>>
        %dma_wait3A_349 = tpu.memref_squeeze %dma_wait3A_348 : memref<1x1x1x1x1024xf32, #tpu.memory_space<hbm>> -> memref<1024xf32, #tpu.memory_space<hbm>>
        %dma_wait3A_350 = tpu.memref_slice %arg5[%scan3A_54, %arg0, %dma_wait3A_344, %arg1, %mul3A_122] : memref<8x2x16x16x4096xf32, #tpu.memory_space<hbm>> -> memref<1x1x1x1x1024xf32, #tpu.memory_space<hbm>>
        %dma_wait3A_351 = tpu.memref_squeeze %dma_wait3A_350 : memref<1x1x1x1x1024xf32, #tpu.memory_space<hbm>> -> memref<1024xf32, #tpu.memory_space<hbm>>
        %dma_wait3A_352 = arith.constant 0 : i32
        %dma_wait3A_353 = tpu.memref_slice %arg10[%dma_wait3A_343, %dma_wait3A_352] : memref<16x1024xf32, #tpu.memory_space<vmem>> -> memref<1x1024xf32, #tpu.memory_space<vmem>>
        %dma_wait3A_354 = tpu.memref_squeeze %dma_wait3A_353 : memref<1x1024xf32, #tpu.memory_space<vmem>> -> memref<1024xf32, #tpu.memory_space<vmem>>
        tpu.wait_dma2 semaphore(%arg14 : memref<!tpu.dma_semaphore, #tpu.memory_space<semaphore_mem>>) src(%dma_wait3A_354 : memref<1024xf32, #tpu.memory_space<vmem>>) dst(%dma_wait3A_351 : memref<1024xf32, #tpu.memory_space<hbm>>)
        %dma_wait3A_355 = arith.constant 2 : i32
        %dma_wait3A_356 = arith.constant 2 : i32
        %dma_wait3A_357 = arith.constant 0 : i32
        %dma_wait3A_358 = tpu.memref_slice %arg10[%dma_wait3A_355, %dma_wait3A_357] : memref<16x1024xf32, #tpu.memory_space<vmem>> -> memref<1x1024xf32, #tpu.memory_space<vmem>>
        %dma_wait3A_359 = tpu.memref_squeeze %dma_wait3A_358 : memref<1x1024xf32, #tpu.memory_space<vmem>> -> memref<1024xf32, #tpu.memory_space<vmem>>
        %dma_wait3A_360 = tpu.memref_slice %arg5[%scan3A_54, %arg0, %dma_wait3A_356, %arg1, %mul3A_136] : memref<8x2x16x16x4096xf32, #tpu.memory_space<hbm>> -> memref<1x1x1x1x1024xf32, #tpu.memory_space<hbm>>
        %dma_wait3A_361 = tpu.memref_squeeze %dma_wait3A_360 : memref<1x1x1x1x1024xf32, #tpu.memory_space<hbm>> -> memref<1024xf32, #tpu.memory_space<hbm>>
        %dma_wait3A_362 = tpu.memref_slice %arg5[%scan3A_54, %arg0, %dma_wait3A_356, %arg1, %mul3A_136] : memref<8x2x16x16x4096xf32, #tpu.memory_space<hbm>> -> memref<1x1x1x1x1024xf32, #tpu.memory_space<hbm>>
        %dma_wait3A_363 = tpu.memref_squeeze %dma_wait3A_362 : memref<1x1x1x1x1024xf32, #tpu.memory_space<hbm>> -> memref<1024xf32, #tpu.memory_space<hbm>>
        %dma_wait3A_364 = arith.constant 0 : i32
        %dma_wait3A_365 = tpu.memref_slice %arg10[%dma_wait3A_355, %dma_wait3A_364] : memref<16x1024xf32, #tpu.memory_space<vmem>> -> memref<1x1024xf32, #tpu.memory_space<vmem>>
        %dma_wait3A_366 = tpu.memref_squeeze %dma_wait3A_365 : memref<1x1024xf32, #tpu.memory_space<vmem>> -> memref<1024xf32, #tpu.memory_space<vmem>>
        tpu.wait_dma2 semaphore(%arg14 : memref<!tpu.dma_semaphore, #tpu.memory_space<semaphore_mem>>) src(%dma_wait3A_366 : memref<1024xf32, #tpu.memory_space<vmem>>) dst(%dma_wait3A_363 : memref<1024xf32, #tpu.memory_space<hbm>>)
        %dma_wait3A_367 = arith.constant 3 : i32
        %dma_wait3A_368 = arith.constant 3 : i32
        %dma_wait3A_369 = arith.constant 0 : i32
        %dma_wait3A_370 = tpu.memref_slice %arg10[%dma_wait3A_367, %dma_wait3A_369] : memref<16x1024xf32, #tpu.memory_space<vmem>> -> memref<1x1024xf32, #tpu.memory_space<vmem>>
        %dma_wait3A_371 = tpu.memref_squeeze %dma_wait3A_370 : memref<1x1024xf32, #tpu.memory_space<vmem>> -> memref<1024xf32, #tpu.memory_space<vmem>>
        %dma_wait3A_372 = tpu.memref_slice %arg5[%scan3A_54, %arg0, %dma_wait3A_368, %arg1, %mul3A_150] : memref<8x2x16x16x4096xf32, #tpu.memory_space<hbm>> -> memref<1x1x1x1x1024xf32, #tpu.memory_space<hbm>>
        %dma_wait3A_373 = tpu.memref_squeeze %dma_wait3A_372 : memref<1x1x1x1x1024xf32, #tpu.memory_space<hbm>> -> memref<1024xf32, #tpu.memory_space<hbm>>
        %dma_wait3A_374 = tpu.memref_slice %arg5[%scan3A_54, %arg0, %dma_wait3A_368, %arg1, %mul3A_150] : memref<8x2x16x16x4096xf32, #tpu.memory_space<hbm>> -> memref<1x1x1x1x1024xf32, #tpu.memory_space<hbm>>
        %dma_wait3A_375 = tpu.memref_squeeze %dma_wait3A_374 : memref<1x1x1x1x1024xf32, #tpu.memory_space<hbm>> -> memref<1024xf32, #tpu.memory_space<hbm>>
        %dma_wait3A_376 = arith.constant 0 : i32
        %dma_wait3A_377 = tpu.memref_slice %arg10[%dma_wait3A_367, %dma_wait3A_376] : memref<16x1024xf32, #tpu.memory_space<vmem>> -> memref<1x1024xf32, #tpu.memory_space<vmem>>
        %dma_wait3A_378 = tpu.memref_squeeze %dma_wait3A_377 : memref<1x1024xf32, #tpu.memory_space<vmem>> -> memref<1024xf32, #tpu.memory_space<vmem>>
        tpu.wait_dma2 semaphore(%arg14 : memref<!tpu.dma_semaphore, #tpu.memory_space<semaphore_mem>>) src(%dma_wait3A_378 : memref<1024xf32, #tpu.memory_space<vmem>>) dst(%dma_wait3A_375 : memref<1024xf32, #tpu.memory_space<hbm>>)
        %dma_wait3A_379 = arith.constant 4 : i32
        %dma_wait3A_380 = arith.constant 4 : i32
        %dma_wait3A_381 = arith.constant 0 : i32
        %dma_wait3A_382 = tpu.memref_slice %arg10[%dma_wait3A_379, %dma_wait3A_381] : memref<16x1024xf32, #tpu.memory_space<vmem>> -> memref<1x1024xf32, #tpu.memory_space<vmem>>
        %dma_wait3A_383 = tpu.memref_squeeze %dma_wait3A_382 : memref<1x1024xf32, #tpu.memory_space<vmem>> -> memref<1024xf32, #tpu.memory_space<vmem>>
        %dma_wait3A_384 = tpu.memref_slice %arg5[%scan3A_54, %arg0, %dma_wait3A_380, %arg1, %mul3A_164] : memref<8x2x16x16x4096xf32, #tpu.memory_space<hbm>> -> memref<1x1x1x1x1024xf32, #tpu.memory_space<hbm>>
        %dma_wait3A_385 = tpu.memref_squeeze %dma_wait3A_384 : memref<1x1x1x1x1024xf32, #tpu.memory_space<hbm>> -> memref<1024xf32, #tpu.memory_space<hbm>>
        %dma_wait3A_386 = tpu.memref_slice %arg5[%scan3A_54, %arg0, %dma_wait3A_380, %arg1, %mul3A_164] : memref<8x2x16x16x4096xf32, #tpu.memory_space<hbm>> -> memref<1x1x1x1x1024xf32, #tpu.memory_space<hbm>>
        %dma_wait3A_387 = tpu.memref_squeeze %dma_wait3A_386 : memref<1x1x1x1x1024xf32, #tpu.memory_space<hbm>> -> memref<1024xf32, #tpu.memory_space<hbm>>
        %dma_wait3A_388 = arith.constant 0 : i32
        %dma_wait3A_389 = tpu.memref_slice %arg10[%dma_wait3A_379, %dma_wait3A_388] : memref<16x1024xf32, #tpu.memory_space<vmem>> -> memref<1x1024xf32, #tpu.memory_space<vmem>>
        %dma_wait3A_390 = tpu.memref_squeeze %dma_wait3A_389 : memref<1x1024xf32, #tpu.memory_space<vmem>> -> memref<1024xf32, #tpu.memory_space<vmem>>
        tpu.wait_dma2 semaphore(%arg14 : memref<!tpu.dma_semaphore, #tpu.memory_space<semaphore_mem>>) src(%dma_wait3A_390 : memref<1024xf32, #tpu.memory_space<vmem>>) dst(%dma_wait3A_387 : memref<1024xf32, #tpu.memory_space<hbm>>)
        %dma_wait3A_391 = arith.constant 5 : i32
        %dma_wait3A_392 = arith.constant 5 : i32
        %dma_wait3A_393 = arith.constant 0 : i32
        %dma_wait3A_394 = tpu.memref_slice %arg10[%dma_wait3A_391, %dma_wait3A_393] : memref<16x1024xf32, #tpu.memory_space<vmem>> -> memref<1x1024xf32, #tpu.memory_space<vmem>>
        %dma_wait3A_395 = tpu.memref_squeeze %dma_wait3A_394 : memref<1x1024xf32, #tpu.memory_space<vmem>> -> memref<1024xf32, #tpu.memory_space<vmem>>
        %dma_wait3A_396 = tpu.memref_slice %arg5[%scan3A_54, %arg0, %dma_wait3A_392, %arg1, %mul3A_178] : memref<8x2x16x16x4096xf32, #tpu.memory_space<hbm>> -> memref<1x1x1x1x1024xf32, #tpu.memory_space<hbm>>
        %dma_wait3A_397 = tpu.memref_squeeze %dma_wait3A_396 : memref<1x1x1x1x1024xf32, #tpu.memory_space<hbm>> -> memref<1024xf32, #tpu.memory_space<hbm>>
        %dma_wait3A_398 = tpu.memref_slice %arg5[%scan3A_54, %arg0, %dma_wait3A_392, %arg1, %mul3A_178] : memref<8x2x16x16x4096xf32, #tpu.memory_space<hbm>> -> memref<1x1x1x1x1024xf32, #tpu.memory_space<hbm>>
        %dma_wait3A_399 = tpu.memref_squeeze %dma_wait3A_398 : memref<1x1x1x1x1024xf32, #tpu.memory_space<hbm>> -> memref<1024xf32, #tpu.memory_space<hbm>>
        %dma_wait3A_400 = arith.constant 0 : i32
        %dma_wait3A_401 = tpu.memref_slice %arg10[%dma_wait3A_391, %dma_wait3A_400] : memref<16x1024xf32, #tpu.memory_space<vmem>> -> memref<1x1024xf32, #tpu.memory_space<vmem>>
        %dma_wait3A_402 = tpu.memref_squeeze %dma_wait3A_401 : memref<1x1024xf32, #tpu.memory_space<vmem>> -> memref<1024xf32, #tpu.memory_space<vmem>>
        tpu.wait_dma2 semaphore(%arg14 : memref<!tpu.dma_semaphore, #tpu.memory_space<semaphore_mem>>) src(%dma_wait3A_402 : memref<1024xf32, #tpu.memory_space<vmem>>) dst(%dma_wait3A_399 : memref<1024xf32, #tpu.memory_space<hbm>>)
        %dma_wait3A_403 = arith.constant 6 : i32
        %dma_wait3A_404 = arith.constant 6 : i32
        %dma_wait3A_405 = arith.constant 0 : i32
        %dma_wait3A_406 = tpu.memref_slice %arg10[%dma_wait3A_403, %dma_wait3A_405] : memref<16x1024xf32, #tpu.memory_space<vmem>> -> memref<1x1024xf32, #tpu.memory_space<vmem>>
        %dma_wait3A_407 = tpu.memref_squeeze %dma_wait3A_406 : memref<1x1024xf32, #tpu.memory_space<vmem>> -> memref<1024xf32, #tpu.memory_space<vmem>>
        %dma_wait3A_408 = tpu.memref_slice %arg5[%scan3A_54, %arg0, %dma_wait3A_404, %arg1, %mul3A_192] : memref<8x2x16x16x4096xf32, #tpu.memory_space<hbm>> -> memref<1x1x1x1x1024xf32, #tpu.memory_space<hbm>>
        %dma_wait3A_409 = tpu.memref_squeeze %dma_wait3A_408 : memref<1x1x1x1x1024xf32, #tpu.memory_space<hbm>> -> memref<1024xf32, #tpu.memory_space<hbm>>
        %dma_wait3A_410 = tpu.memref_slice %arg5[%scan3A_54, %arg0, %dma_wait3A_404, %arg1, %mul3A_192] : memref<8x2x16x16x4096xf32, #tpu.memory_space<hbm>> -> memref<1x1x1x1x1024xf32, #tpu.memory_space<hbm>>
        %dma_wait3A_411 = tpu.memref_squeeze %dma_wait3A_410 : memref<1x1x1x1x1024xf32, #tpu.memory_space<hbm>> -> memref<1024xf32, #tpu.memory_space<hbm>>
        %dma_wait3A_412 = arith.constant 0 : i32
        %dma_wait3A_413 = tpu.memref_slice %arg10[%dma_wait3A_403, %dma_wait3A_412] : memref<16x1024xf32, #tpu.memory_space<vmem>> -> memref<1x1024xf32, #tpu.memory_space<vmem>>
        %dma_wait3A_414 = tpu.memref_squeeze %dma_wait3A_413 : memref<1x1024xf32, #tpu.memory_space<vmem>> -> memref<1024xf32, #tpu.memory_space<vmem>>
        tpu.wait_dma2 semaphore(%arg14 : memref<!tpu.dma_semaphore, #tpu.memory_space<semaphore_mem>>) src(%dma_wait3A_414 : memref<1024xf32, #tpu.memory_space<vmem>>) dst(%dma_wait3A_411 : memref<1024xf32, #tpu.memory_space<hbm>>)
        %dma_wait3A_415 = arith.constant 7 : i32
        %dma_wait3A_416 = arith.constant 7 : i32
        %dma_wait3A_417 = arith.constant 0 : i32
        %dma_wait3A_418 = tpu.memref_slice %arg10[%dma_wait3A_415, %dma_wait3A_417] : memref<16x1024xf32, #tpu.memory_space<vmem>> -> memref<1x1024xf32, #tpu.memory_space<vmem>>
        %dma_wait3A_419 = tpu.memref_squeeze %dma_wait3A_418 : memref<1x1024xf32, #tpu.memory_space<vmem>> -> memref<1024xf32, #tpu.memory_space<vmem>>
        %dma_wait3A_420 = tpu.memref_slice %arg5[%scan3A_54, %arg0, %dma_wait3A_416, %arg1, %mul3A_206] : memref<8x2x16x16x4096xf32, #tpu.memory_space<hbm>> -> memref<1x1x1x1x1024xf32, #tpu.memory_space<hbm>>
        %dma_wait3A_421 = tpu.memref_squeeze %dma_wait3A_420 : memref<1x1x1x1x1024xf32, #tpu.memory_space<hbm>> -> memref<1024xf32, #tpu.memory_space<hbm>>
        %dma_wait3A_422 = tpu.memref_slice %arg5[%scan3A_54, %arg0, %dma_wait3A_416, %arg1, %mul3A_206] : memref<8x2x16x16x4096xf32, #tpu.memory_space<hbm>> -> memref<1x1x1x1x1024xf32, #tpu.memory_space<hbm>>
        %dma_wait3A_423 = tpu.memref_squeeze %dma_wait3A_422 : memref<1x1x1x1x1024xf32, #tpu.memory_space<hbm>> -> memref<1024xf32, #tpu.memory_space<hbm>>
        %dma_wait3A_424 = arith.constant 0 : i32
        %dma_wait3A_425 = tpu.memref_slice %arg10[%dma_wait3A_415, %dma_wait3A_424] : memref<16x1024xf32, #tpu.memory_space<vmem>> -> memref<1x1024xf32, #tpu.memory_space<vmem>>
        %dma_wait3A_426 = tpu.memref_squeeze %dma_wait3A_425 : memref<1x1024xf32, #tpu.memory_space<vmem>> -> memref<1024xf32, #tpu.memory_space<vmem>>
        tpu.wait_dma2 semaphore(%arg14 : memref<!tpu.dma_semaphore, #tpu.memory_space<semaphore_mem>>) src(%dma_wait3A_426 : memref<1024xf32, #tpu.memory_space<vmem>>) dst(%dma_wait3A_423 : memref<1024xf32, #tpu.memory_space<hbm>>)
        %dma_wait3A_427 = arith.constant 8 : i32
        %dma_wait3A_428 = arith.constant 8 : i32
        %dma_wait3A_429 = arith.constant 0 : i32
        %dma_wait3A_430 = tpu.memref_slice %arg10[%dma_wait3A_427, %dma_wait3A_429] : memref<16x1024xf32, #tpu.memory_space<vmem>> -> memref<1x1024xf32, #tpu.memory_space<vmem>>
        %dma_wait3A_431 = tpu.memref_squeeze %dma_wait3A_430 : memref<1x1024xf32, #tpu.memory_space<vmem>> -> memref<1024xf32, #tpu.memory_space<vmem>>
        %dma_wait3A_432 = tpu.memref_slice %arg5[%scan3A_54, %arg0, %dma_wait3A_428, %arg1, %mul3A_220] : memref<8x2x16x16x4096xf32, #tpu.memory_space<hbm>> -> memref<1x1x1x1x1024xf32, #tpu.memory_space<hbm>>
        %dma_wait3A_433 = tpu.memref_squeeze %dma_wait3A_432 : memref<1x1x1x1x1024xf32, #tpu.memory_space<hbm>> -> memref<1024xf32, #tpu.memory_space<hbm>>
        %dma_wait3A_434 = tpu.memref_slice %arg5[%scan3A_54, %arg0, %dma_wait3A_428, %arg1, %mul3A_220] : memref<8x2x16x16x4096xf32, #tpu.memory_space<hbm>> -> memref<1x1x1x1x1024xf32, #tpu.memory_space<hbm>>
        %dma_wait3A_435 = tpu.memref_squeeze %dma_wait3A_434 : memref<1x1x1x1x1024xf32, #tpu.memory_space<hbm>> -> memref<1024xf32, #tpu.memory_space<hbm>>
        %dma_wait3A_436 = arith.constant 0 : i32
        %dma_wait3A_437 = tpu.memref_slice %arg10[%dma_wait3A_427, %dma_wait3A_436] : memref<16x1024xf32, #tpu.memory_space<vmem>> -> memref<1x1024xf32, #tpu.memory_space<vmem>>
        %dma_wait3A_438 = tpu.memref_squeeze %dma_wait3A_437 : memref<1x1024xf32, #tpu.memory_space<vmem>> -> memref<1024xf32, #tpu.memory_space<vmem>>
        tpu.wait_dma2 semaphore(%arg14 : memref<!tpu.dma_semaphore, #tpu.memory_space<semaphore_mem>>) src(%dma_wait3A_438 : memref<1024xf32, #tpu.memory_space<vmem>>) dst(%dma_wait3A_435 : memref<1024xf32, #tpu.memory_space<hbm>>)
        %dma_wait3A_439 = arith.constant 9 : i32
        %dma_wait3A_440 = arith.constant 9 : i32
        %dma_wait3A_441 = arith.constant 0 : i32
        %dma_wait3A_442 = tpu.memref_slice %arg10[%dma_wait3A_439, %dma_wait3A_441] : memref<16x1024xf32, #tpu.memory_space<vmem>> -> memref<1x1024xf32, #tpu.memory_space<vmem>>
        %dma_wait3A_443 = tpu.memref_squeeze %dma_wait3A_442 : memref<1x1024xf32, #tpu.memory_space<vmem>> -> memref<1024xf32, #tpu.memory_space<vmem>>
        %dma_wait3A_444 = tpu.memref_slice %arg5[%scan3A_54, %arg0, %dma_wait3A_440, %arg1, %mul3A_234] : memref<8x2x16x16x4096xf32, #tpu.memory_space<hbm>> -> memref<1x1x1x1x1024xf32, #tpu.memory_space<hbm>>
        %dma_wait3A_445 = tpu.memref_squeeze %dma_wait3A_444 : memref<1x1x1x1x1024xf32, #tpu.memory_space<hbm>> -> memref<1024xf32, #tpu.memory_space<hbm>>
        %dma_wait3A_446 = tpu.memref_slice %arg5[%scan3A_54, %arg0, %dma_wait3A_440, %arg1, %mul3A_234] : memref<8x2x16x16x4096xf32, #tpu.memory_space<hbm>> -> memref<1x1x1x1x1024xf32, #tpu.memory_space<hbm>>
        %dma_wait3A_447 = tpu.memref_squeeze %dma_wait3A_446 : memref<1x1x1x1x1024xf32, #tpu.memory_space<hbm>> -> memref<1024xf32, #tpu.memory_space<hbm>>
        %dma_wait3A_448 = arith.constant 0 : i32
        %dma_wait3A_449 = tpu.memref_slice %arg10[%dma_wait3A_439, %dma_wait3A_448] : memref<16x1024xf32, #tpu.memory_space<vmem>> -> memref<1x1024xf32, #tpu.memory_space<vmem>>
        %dma_wait3A_450 = tpu.memref_squeeze %dma_wait3A_449 : memref<1x1024xf32, #tpu.memory_space<vmem>> -> memref<1024xf32, #tpu.memory_space<vmem>>
        tpu.wait_dma2 semaphore(%arg14 : memref<!tpu.dma_semaphore, #tpu.memory_space<semaphore_mem>>) src(%dma_wait3A_450 : memref<1024xf32, #tpu.memory_space<vmem>>) dst(%dma_wait3A_447 : memref<1024xf32, #tpu.memory_space<hbm>>)
        %dma_wait3A_451 = arith.constant 10 : i32
        %dma_wait3A_452 = arith.constant 10 : i32
        %dma_wait3A_453 = arith.constant 0 : i32
        %dma_wait3A_454 = tpu.memref_slice %arg10[%dma_wait3A_451, %dma_wait3A_453] : memref<16x1024xf32, #tpu.memory_space<vmem>> -> memref<1x1024xf32, #tpu.memory_space<vmem>>
        %dma_wait3A_455 = tpu.memref_squeeze %dma_wait3A_454 : memref<1x1024xf32, #tpu.memory_space<vmem>> -> memref<1024xf32, #tpu.memory_space<vmem>>
        %dma_wait3A_456 = tpu.memref_slice %arg5[%scan3A_54, %arg0, %dma_wait3A_452, %arg1, %mul3A_248] : memref<8x2x16x16x4096xf32, #tpu.memory_space<hbm>> -> memref<1x1x1x1x1024xf32, #tpu.memory_space<hbm>>
        %dma_wait3A_457 = tpu.memref_squeeze %dma_wait3A_456 : memref<1x1x1x1x1024xf32, #tpu.memory_space<hbm>> -> memref<1024xf32, #tpu.memory_space<hbm>>
        %dma_wait3A_458 = tpu.memref_slice %arg5[%scan3A_54, %arg0, %dma_wait3A_452, %arg1, %mul3A_248] : memref<8x2x16x16x4096xf32, #tpu.memory_space<hbm>> -> memref<1x1x1x1x1024xf32, #tpu.memory_space<hbm>>
        %dma_wait3A_459 = tpu.memref_squeeze %dma_wait3A_458 : memref<1x1x1x1x1024xf32, #tpu.memory_space<hbm>> -> memref<1024xf32, #tpu.memory_space<hbm>>
        %dma_wait3A_460 = arith.constant 0 : i32
        %dma_wait3A_461 = tpu.memref_slice %arg10[%dma_wait3A_451, %dma_wait3A_460] : memref<16x1024xf32, #tpu.memory_space<vmem>> -> memref<1x1024xf32, #tpu.memory_space<vmem>>
        %dma_wait3A_462 = tpu.memref_squeeze %dma_wait3A_461 : memref<1x1024xf32, #tpu.memory_space<vmem>> -> memref<1024xf32, #tpu.memory_space<vmem>>
        tpu.wait_dma2 semaphore(%arg14 : memref<!tpu.dma_semaphore, #tpu.memory_space<semaphore_mem>>) src(%dma_wait3A_462 : memref<1024xf32, #tpu.memory_space<vmem>>) dst(%dma_wait3A_459 : memref<1024xf32, #tpu.memory_space<hbm>>)
        %dma_wait3A_463 = arith.constant 11 : i32
        %dma_wait3A_464 = arith.constant 11 : i32
        %dma_wait3A_465 = arith.constant 0 : i32
        %dma_wait3A_466 = tpu.memref_slice %arg10[%dma_wait3A_463, %dma_wait3A_465] : memref<16x1024xf32, #tpu.memory_space<vmem>> -> memref<1x1024xf32, #tpu.memory_space<vmem>>
        %dma_wait3A_467 = tpu.memref_squeeze %dma_wait3A_466 : memref<1x1024xf32, #tpu.memory_space<vmem>> -> memref<1024xf32, #tpu.memory_space<vmem>>
        %dma_wait3A_468 = tpu.memref_slice %arg5[%scan3A_54, %arg0, %dma_wait3A_464, %arg1, %mul3A_262] : memref<8x2x16x16x4096xf32, #tpu.memory_space<hbm>> -> memref<1x1x1x1x1024xf32, #tpu.memory_space<hbm>>
        %dma_wait3A_469 = tpu.memref_squeeze %dma_wait3A_468 : memref<1x1x1x1x1024xf32, #tpu.memory_space<hbm>> -> memref<1024xf32, #tpu.memory_space<hbm>>
        %dma_wait3A_470 = tpu.memref_slice %arg5[%scan3A_54, %arg0, %dma_wait3A_464, %arg1, %mul3A_262] : memref<8x2x16x16x4096xf32, #tpu.memory_space<hbm>> -> memref<1x1x1x1x1024xf32, #tpu.memory_space<hbm>>
        %dma_wait3A_471 = tpu.memref_squeeze %dma_wait3A_470 : memref<1x1x1x1x1024xf32, #tpu.memory_space<hbm>> -> memref<1024xf32, #tpu.memory_space<hbm>>
        %dma_wait3A_472 = arith.constant 0 : i32
        %dma_wait3A_473 = tpu.memref_slice %arg10[%dma_wait3A_463, %dma_wait3A_472] : memref<16x1024xf32, #tpu.memory_space<vmem>> -> memref<1x1024xf32, #tpu.memory_space<vmem>>
        %dma_wait3A_474 = tpu.memref_squeeze %dma_wait3A_473 : memref<1x1024xf32, #tpu.memory_space<vmem>> -> memref<1024xf32, #tpu.memory_space<vmem>>
        tpu.wait_dma2 semaphore(%arg14 : memref<!tpu.dma_semaphore, #tpu.memory_space<semaphore_mem>>) src(%dma_wait3A_474 : memref<1024xf32, #tpu.memory_space<vmem>>) dst(%dma_wait3A_471 : memref<1024xf32, #tpu.memory_space<hbm>>)
        %dma_wait3A_475 = arith.constant 12 : i32
        %dma_wait3A_476 = arith.constant 12 : i32
        %dma_wait3A_477 = arith.constant 0 : i32
        %dma_wait3A_478 = tpu.memref_slice %arg10[%dma_wait3A_475, %dma_wait3A_477] : memref<16x1024xf32, #tpu.memory_space<vmem>> -> memref<1x1024xf32, #tpu.memory_space<vmem>>
        %dma_wait3A_479 = tpu.memref_squeeze %dma_wait3A_478 : memref<1x1024xf32, #tpu.memory_space<vmem>> -> memref<1024xf32, #tpu.memory_space<vmem>>
        %dma_wait3A_480 = tpu.memref_slice %arg5[%scan3A_54, %arg0, %dma_wait3A_476, %arg1, %mul3A_276] : memref<8x2x16x16x4096xf32, #tpu.memory_space<hbm>> -> memref<1x1x1x1x1024xf32, #tpu.memory_space<hbm>>
        %dma_wait3A_481 = tpu.memref_squeeze %dma_wait3A_480 : memref<1x1x1x1x1024xf32, #tpu.memory_space<hbm>> -> memref<1024xf32, #tpu.memory_space<hbm>>
        %dma_wait3A_482 = tpu.memref_slice %arg5[%scan3A_54, %arg0, %dma_wait3A_476, %arg1, %mul3A_276] : memref<8x2x16x16x4096xf32, #tpu.memory_space<hbm>> -> memref<1x1x1x1x1024xf32, #tpu.memory_space<hbm>>
        %dma_wait3A_483 = tpu.memref_squeeze %dma_wait3A_482 : memref<1x1x1x1x1024xf32, #tpu.memory_space<hbm>> -> memref<1024xf32, #tpu.memory_space<hbm>>
        %dma_wait3A_484 = arith.constant 0 : i32
        %dma_wait3A_485 = tpu.memref_slice %arg10[%dma_wait3A_475, %dma_wait3A_484] : memref<16x1024xf32, #tpu.memory_space<vmem>> -> memref<1x1024xf32, #tpu.memory_space<vmem>>
        %dma_wait3A_486 = tpu.memref_squeeze %dma_wait3A_485 : memref<1x1024xf32, #tpu.memory_space<vmem>> -> memref<1024xf32, #tpu.memory_space<vmem>>
        tpu.wait_dma2 semaphore(%arg14 : memref<!tpu.dma_semaphore, #tpu.memory_space<semaphore_mem>>) src(%dma_wait3A_486 : memref<1024xf32, #tpu.memory_space<vmem>>) dst(%dma_wait3A_483 : memref<1024xf32, #tpu.memory_space<hbm>>)
        %dma_wait3A_487 = arith.constant 13 : i32
        %dma_wait3A_488 = arith.constant 13 : i32
        %dma_wait3A_489 = arith.constant 0 : i32
        %dma_wait3A_490 = tpu.memref_slice %arg10[%dma_wait3A_487, %dma_wait3A_489] : memref<16x1024xf32, #tpu.memory_space<vmem>> -> memref<1x1024xf32, #tpu.memory_space<vmem>>
        %dma_wait3A_491 = tpu.memref_squeeze %dma_wait3A_490 : memref<1x1024xf32, #tpu.memory_space<vmem>> -> memref<1024xf32, #tpu.memory_space<vmem>>
        %dma_wait3A_492 = tpu.memref_slice %arg5[%scan3A_54, %arg0, %dma_wait3A_488, %arg1, %mul3A_290] : memref<8x2x16x16x4096xf32, #tpu.memory_space<hbm>> -> memref<1x1x1x1x1024xf32, #tpu.memory_space<hbm>>
        %dma_wait3A_493 = tpu.memref_squeeze %dma_wait3A_492 : memref<1x1x1x1x1024xf32, #tpu.memory_space<hbm>> -> memref<1024xf32, #tpu.memory_space<hbm>>
        %dma_wait3A_494 = tpu.memref_slice %arg5[%scan3A_54, %arg0, %dma_wait3A_488, %arg1, %mul3A_290] : memref<8x2x16x16x4096xf32, #tpu.memory_space<hbm>> -> memref<1x1x1x1x1024xf32, #tpu.memory_space<hbm>>
        %dma_wait3A_495 = tpu.memref_squeeze %dma_wait3A_494 : memref<1x1x1x1x1024xf32, #tpu.memory_space<hbm>> -> memref<1024xf32, #tpu.memory_space<hbm>>
        %dma_wait3A_496 = arith.constant 0 : i32
        %dma_wait3A_497 = tpu.memref_slice %arg10[%dma_wait3A_487, %dma_wait3A_496] : memref<16x1024xf32, #tpu.memory_space<vmem>> -> memref<1x1024xf32, #tpu.memory_space<vmem>>
        %dma_wait3A_498 = tpu.memref_squeeze %dma_wait3A_497 : memref<1x1024xf32, #tpu.memory_space<vmem>> -> memref<1024xf32, #tpu.memory_space<vmem>>
        tpu.wait_dma2 semaphore(%arg14 : memref<!tpu.dma_semaphore, #tpu.memory_space<semaphore_mem>>) src(%dma_wait3A_498 : memref<1024xf32, #tpu.memory_space<vmem>>) dst(%dma_wait3A_495 : memref<1024xf32, #tpu.memory_space<hbm>>)
        %dma_wait3A_499 = arith.constant 14 : i32
        %dma_wait3A_500 = arith.constant 14 : i32
        %dma_wait3A_501 = arith.constant 0 : i32
        %dma_wait3A_502 = tpu.memref_slice %arg10[%dma_wait3A_499, %dma_wait3A_501] : memref<16x1024xf32, #tpu.memory_space<vmem>> -> memref<1x1024xf32, #tpu.memory_space<vmem>>
        %dma_wait3A_503 = tpu.memref_squeeze %dma_wait3A_502 : memref<1x1024xf32, #tpu.memory_space<vmem>> -> memref<1024xf32, #tpu.memory_space<vmem>>
        %dma_wait3A_504 = tpu.memref_slice %arg5[%scan3A_54, %arg0, %dma_wait3A_500, %arg1, %mul3A_304] : memref<8x2x16x16x4096xf32, #tpu.memory_space<hbm>> -> memref<1x1x1x1x1024xf32, #tpu.memory_space<hbm>>
        %dma_wait3A_505 = tpu.memref_squeeze %dma_wait3A_504 : memref<1x1x1x1x1024xf32, #tpu.memory_space<hbm>> -> memref<1024xf32, #tpu.memory_space<hbm>>
        %dma_wait3A_506 = tpu.memref_slice %arg5[%scan3A_54, %arg0, %dma_wait3A_500, %arg1, %mul3A_304] : memref<8x2x16x16x4096xf32, #tpu.memory_space<hbm>> -> memref<1x1x1x1x1024xf32, #tpu.memory_space<hbm>>
        %dma_wait3A_507 = tpu.memref_squeeze %dma_wait3A_506 : memref<1x1x1x1x1024xf32, #tpu.memory_space<hbm>> -> memref<1024xf32, #tpu.memory_space<hbm>>
        %dma_wait3A_508 = arith.constant 0 : i32
        %dma_wait3A_509 = tpu.memref_slice %arg10[%dma_wait3A_499, %dma_wait3A_508] : memref<16x1024xf32, #tpu.memory_space<vmem>> -> memref<1x1024xf32, #tpu.memory_space<vmem>>
        %dma_wait3A_510 = tpu.memref_squeeze %dma_wait3A_509 : memref<1x1024xf32, #tpu.memory_space<vmem>> -> memref<1024xf32, #tpu.memory_space<vmem>>
        tpu.wait_dma2 semaphore(%arg14 : memref<!tpu.dma_semaphore, #tpu.memory_space<semaphore_mem>>) src(%dma_wait3A_510 : memref<1024xf32, #tpu.memory_space<vmem>>) dst(%dma_wait3A_507 : memref<1024xf32, #tpu.memory_space<hbm>>)
        %dma_wait3A_511 = arith.constant 15 : i32
        %dma_wait3A_512 = arith.constant 15 : i32
        %dma_wait3A_513 = arith.constant 0 : i32
        %dma_wait3A_514 = tpu.memref_slice %arg10[%dma_wait3A_511, %dma_wait3A_513] : memref<16x1024xf32, #tpu.memory_space<vmem>> -> memref<1x1024xf32, #tpu.memory_space<vmem>>
        %dma_wait3A_515 = tpu.memref_squeeze %dma_wait3A_514 : memref<1x1024xf32, #tpu.memory_space<vmem>> -> memref<1024xf32, #tpu.memory_space<vmem>>
        %dma_wait3A_516 = tpu.memref_slice %arg5[%scan3A_54, %arg0, %dma_wait3A_512, %arg1, %mul3A_318] : memref<8x2x16x16x4096xf32, #tpu.memory_space<hbm>> -> memref<1x1x1x1x1024xf32, #tpu.memory_space<hbm>>
        %dma_wait3A_517 = tpu.memref_squeeze %dma_wait3A_516 : memref<1x1x1x1x1024xf32, #tpu.memory_space<hbm>> -> memref<1024xf32, #tpu.memory_space<hbm>>
        %dma_wait3A_518 = tpu.memref_slice %arg5[%scan3A_54, %arg0, %dma_wait3A_512, %arg1, %mul3A_318] : memref<8x2x16x16x4096xf32, #tpu.memory_space<hbm>> -> memref<1x1x1x1x1024xf32, #tpu.memory_space<hbm>>
        %dma_wait3A_519 = tpu.memref_squeeze %dma_wait3A_518 : memref<1x1x1x1x1024xf32, #tpu.memory_space<hbm>> -> memref<1024xf32, #tpu.memory_space<hbm>>
        %dma_wait3A_520 = arith.constant 0 : i32
        %dma_wait3A_521 = tpu.memref_slice %arg10[%dma_wait3A_511, %dma_wait3A_520] : memref<16x1024xf32, #tpu.memory_space<vmem>> -> memref<1x1024xf32, #tpu.memory_space<vmem>>
        %dma_wait3A_522 = tpu.memref_squeeze %dma_wait3A_521 : memref<1x1024xf32, #tpu.memory_space<vmem>> -> memref<1024xf32, #tpu.memory_space<vmem>>
        tpu.wait_dma2 semaphore(%arg14 : memref<!tpu.dma_semaphore, #tpu.memory_space<semaphore_mem>>) src(%dma_wait3A_522 : memref<1024xf32, #tpu.memory_space<vmem>>) dst(%dma_wait3A_519 : memref<1024xf32, #tpu.memory_space<hbm>>)
        %scan3A_523 = arith.constant 0 : i32
        scf.yield %scan3A_523 : i32
      }
      %scan3A_80 = arith.constant 4 : i32
      %scan3A_81 = arith.constant 0 : i32
      %scan3A_82 = arith.constant 0 : i32
      %scan3A_83 = arith.constant 1024 : i32
      %scan3A_84 = arith.addi %scan3A_82, %scan3A_83 : i32
      %scan3A_85 = arith.constant 1 : i32
      %scan3A_86 = scf.for %scan3A_97 = %scan3A_82 to %scan3A_84 step %scan3A_85 iter_args(%scan3A_98 = %scan3A_81) -> (i32)  : i32 {
        %swap3A = arith.index_cast %scan3A_97 : i32 to index
        %swap3A_99 = arith.constant 0 : index
        %swap3A_100 = tpu.vector_load %arg12[%swap3A, %swap3A_99] {strides = array<i32>} : memref<1024x16xf32, #tpu.memory_space<vmem>>, vector<16xf32>,
        tpu.vector_store %arg12[%swap3A, %swap3A_99], %broadcast_in_dim3A_1 {strides = array<i32>} : memref<1024x16xf32, #tpu.memory_space<vmem>>, vector<16xf32>,
        %scan3A_101 = arith.constant 0 : i32
        scf.yield %scan3A_101 : i32
      }
      %scan3A_87 = arith.constant 1024 : i32
      %scan3A_88 = arith.constant 0 : i32
      %scan3A_89 = arith.constant 0 : i32
      %scan3A_90 = arith.constant 256 : i32
      %scan3A_91 = arith.addi %scan3A_89, %scan3A_90 : i32
      %scan3A_92 = arith.constant 1 : i32
      %scan3A_93 = scf.for %scan3A_97 = %scan3A_89 to %scan3A_91 step %scan3A_92 iter_args(%scan3A_98 = %scan3A_88) -> (i32)  : i32 {
        %mul3A_99 = arith.constant 16 : i32
        %mul3A_100 = arith.muli %scan3A_97, %mul3A_99 : i32
        %swap3A = arith.index_cast %mul3A_100 : i32 to index
        %swap3A_101 = tpu.vector_load %arg13[%swap3A] {strides = array<i32>} : memref<4096xf32, #tpu.memory_space<vmem>>, vector<16xf32>,
        tpu.vector_store %arg13[%swap3A], %broadcast_in_dim3A_1 {strides = array<i32>} : memref<4096xf32, #tpu.memory_space<vmem>>, vector<16xf32>,
        %scan3A_102 = arith.constant 0 : i32
        scf.yield %scan3A_102 : i32
      }
      %scan3A_94 = arith.constant 256 : i32
      %barrier3A_95 = arith.constant 0 : index
      tpu.barrier barrier_id(%barrier3A_95)
      %scan3A_96 = arith.constant 0 : i32
      scf.yield %scan3A_96 : i32
    }
    %scan3A_53 = arith.constant 8 : i32
    return
  }
}

module attributes {stable_mosaic.version = 14 : i64} {
  func.func @_proj_body(%arg0: i32, %arg1: memref<1x1x65536xf32, #tpu.memory_space<vmem>>, %arg2: memref<1x1x65536xf32, #tpu.memory_space<vmem>>, %arg3: memref<1x1x65536xf32, #tpu.memory_space<vmem>>, %arg4: memref<1x1x65536xf32, #tpu.memory_space<vmem>>, %arg5: memref<1x1x65536xi32, #tpu.memory_space<vmem>>, %arg6: memref<1x1x65536xf32, #tpu.memory_space<vmem>>) attributes {dimension_semantics = [#tpu.dimension_semantics<arbitrary>], iteration_bounds = array<i64: 8>, scalar_prefetch = 0 : i64, scratch_operands = 0 : i64, tpu.core_type = #tpu.core_type<tc>, window_params = [{transform_indices = @transform_0, window_bounds = array<i64: 1, 1, 65536>}, {transform_indices = @transform_1, window_bounds = array<i64: 1, 1, 65536>}, {transform_indices = @transform_2, window_bounds = array<i64: 1, 1, 65536>}, {transform_indices = @transform_3, window_bounds = array<i64: 1, 1, 65536>}, {transform_indices = @transform_4, window_bounds = array<i64: 1, 1, 65536>}, {transform_indices = @transform_5, window_bounds = array<i64: 1, 1, 65536>}]} {
    %iota3A = tpu.iota {dimensions = array<i32: 1>} : vector<1x65536xi32>
    %get3A = arith.constant 0 : index
    %get3A_0 = arith.constant 0 : index
    %get3A_1 = arith.constant 0 : index
    %get3A_2 = vector.load %arg1[%get3A, %get3A_0, %get3A_1] : memref<1x1x65536xf32, #tpu.memory_space<vmem>>, vector<1x1x65536xf32>
    %get3A_3 = vector.shape_cast %get3A_2 : vector<1x1x65536xf32> to vector<1x65536xf32>
    %get3A_4 = arith.constant 0 : index
    %get3A_5 = arith.constant 0 : index
    %get3A_6 = arith.constant 0 : index
    %get3A_7 = vector.load %arg2[%get3A_4, %get3A_5, %get3A_6] : memref<1x1x65536xf32, #tpu.memory_space<vmem>>, vector<1x1x65536xf32>
    %get3A_8 = vector.shape_cast %get3A_7 : vector<1x1x65536xf32> to vector<1x65536xf32>
    %get3A_9 = arith.constant 0 : index
    %get3A_10 = arith.constant 0 : index
    %get3A_11 = arith.constant 0 : index
    %get3A_12 = vector.load %arg3[%get3A_9, %get3A_10, %get3A_11] : memref<1x1x65536xf32, #tpu.memory_space<vmem>>, vector<1x1x65536xf32>
    %get3A_13 = vector.shape_cast %get3A_12 : vector<1x1x65536xf32> to vector<1x65536xf32>
    %abs3A = math.absf %get3A_13 : vector<1x65536xf32>
    %lt3A = arith.constant 0.00999999977 : f32
    %lt3A_14 = vector.broadcast %lt3A : f32 to vector<1x65536xf32>
    %lt3A_15 = arith.cmpf olt, %abs3A, %lt3A_14 : vector<1x65536xf32>
    %jit3A = arith.constant 0.00999999977 : f32
    %broadcast_in_dim3A = vector.broadcast %jit3A : f32 to vector<1x65536xf32>
    %select_n3A = arith.select %lt3A_15, %broadcast_in_dim3A, %get3A_13 : vector<1x65536xi1>, vector<1x65536xf32>
    %div3A = arith.divf %get3A_3, %select_n3A : vector<1x65536xf32>
    %div3A_16 = arith.constant 2.550000e+02 : f32
    %div3A_17 = vector.broadcast %div3A_16 : f32 to vector<1x65536xf32>
    %div3A_18 = arith.divf %div3A, %div3A_17 : vector<1x65536xf32>
    %mul3A = arith.constant 2.000000e+00 : f32
    %mul3A_19 = vector.broadcast %mul3A : f32 to vector<1x65536xf32>
    %mul3A_20 = arith.mulf %div3A_18, %mul3A_19 : vector<1x65536xf32>
    %sub3A = arith.constant 1.000000e+00 : f32
    %sub3A_21 = vector.broadcast %sub3A : f32 to vector<1x65536xf32>
    %sub3A_22 = arith.subf %mul3A_20, %sub3A_21 : vector<1x65536xf32>
    %div3A_23 = arith.divf %get3A_8, %select_n3A : vector<1x65536xf32>
    %div3A_24 = arith.constant 2.550000e+02 : f32
    %div3A_25 = vector.broadcast %div3A_24 : f32 to vector<1x65536xf32>
    %div3A_26 = arith.divf %div3A_23, %div3A_25 : vector<1x65536xf32>
    %mul3A_27 = arith.constant 2.000000e+00 : f32
    %mul3A_28 = vector.broadcast %mul3A_27 : f32 to vector<1x65536xf32>
    %mul3A_29 = arith.mulf %div3A_26, %mul3A_28 : vector<1x65536xf32>
    %sub3A_30 = arith.constant 1.000000e+00 : f32
    %sub3A_31 = vector.broadcast %sub3A_30 : f32 to vector<1x65536xf32>
    %sub3A_32 = arith.subf %mul3A_29, %sub3A_31 : vector<1x65536xf32>
    %jit3A_33 = arith.constant -1.000000e+01 : f32
    %broadcast_in_dim3A_34 = vector.broadcast %jit3A_33 : f32 to vector<1x65536xf32>
    %select_n3A_35 = arith.select %lt3A_15, %broadcast_in_dim3A_34, %sub3A_22 : vector<1x65536xi1>, vector<1x65536xf32>
    %jit3A_36 = arith.constant -1.000000e+01 : f32
    %broadcast_in_dim3A_37 = vector.broadcast %jit3A_36 : f32 to vector<1x65536xf32>
    %select_n3A_38 = arith.select %lt3A_15, %broadcast_in_dim3A_37, %sub3A_32 : vector<1x65536xi1>, vector<1x65536xf32>
    %jit3A_39 = arith.constant -1.000000e+01 : f32
    %broadcast_in_dim3A_40 = vector.broadcast %jit3A_39 : f32 to vector<1x65536xf32>
    %select_n3A_41 = arith.select %lt3A_15, %broadcast_in_dim3A_40, %get3A_13 : vector<1x65536xi1>, vector<1x65536xf32>
    %add3A = arith.constant 1.000000e+00 : f32
    %add3A_42 = vector.broadcast %add3A : f32 to vector<1x65536xf32>
    %add3A_43 = arith.addf %select_n3A_35, %add3A_42 : vector<1x65536xf32>
    %mul3A_44 = arith.constant 5.000000e-01 : f32
    %mul3A_45 = vector.broadcast %mul3A_44 : f32 to vector<1x65536xf32>
    %mul3A_46 = arith.mulf %add3A_43, %mul3A_45 : vector<1x65536xf32>
    %mul3A_47 = arith.constant 2.550000e+02 : f32
    %mul3A_48 = vector.broadcast %mul3A_47 : f32 to vector<1x65536xf32>
    %mul3A_49 = arith.mulf %mul3A_46, %mul3A_48 : vector<1x65536xf32>
    %add3A_50 = arith.constant 1.000000e+00 : f32
    %add3A_51 = vector.broadcast %add3A_50 : f32 to vector<1x65536xf32>
    %add3A_52 = arith.addf %select_n3A_38, %add3A_51 : vector<1x65536xf32>
    %mul3A_53 = arith.constant 5.000000e-01 : f32
    %mul3A_54 = vector.broadcast %mul3A_53 : f32 to vector<1x65536xf32>
    %mul3A_55 = arith.mulf %add3A_52, %mul3A_54 : vector<1x65536xf32>
    %mul3A_56 = arith.constant 2.550000e+02 : f32
    %mul3A_57 = vector.broadcast %mul3A_56 : f32 to vector<1x65536xf32>
    %mul3A_58 = arith.mulf %mul3A_55, %mul3A_57 : vector<1x65536xf32>
    %round3A = math.roundeven %mul3A_49 : vector<1x65536xf32>
    %jit3A_59 = arith.constant 0 : i32
    %jit3A_60 = arith.constant 255 : i32
    %convert_element_type3A = arith.sitofp %jit3A_59 : i32 to f32
    %max3A = vector.broadcast %convert_element_type3A : f32 to vector<1x65536xf32>
    %max3A_61 = arith.maximumf %max3A, %round3A : vector<1x65536xf32>
    %convert_element_type3A_62 = arith.sitofp %jit3A_60 : i32 to f32
    %min3A = vector.broadcast %convert_element_type3A_62 : f32 to vector<1x65536xf32>
    %min3A_63 = arith.minimumf %min3A, %max3A_61 : vector<1x65536xf32>
    %convert_element_type3A_64 = arith.fptosi %min3A_63 : vector<1x65536xf32> to vector<1x65536xi32>
    %round3A_65 = math.roundeven %mul3A_58 : vector<1x65536xf32>
    %jit3A_66 = arith.constant 0 : i32
    %jit3A_67 = arith.constant 255 : i32
    %convert_element_type3A_68 = arith.sitofp %jit3A_66 : i32 to f32
    %max3A_69 = vector.broadcast %convert_element_type3A_68 : f32 to vector<1x65536xf32>
    %max3A_70 = arith.maximumf %max3A_69, %round3A_65 : vector<1x65536xf32>
    %convert_element_type3A_71 = arith.sitofp %jit3A_67 : i32 to f32
    %min3A_72 = vector.broadcast %convert_element_type3A_71 : f32 to vector<1x65536xf32>
    %min3A_73 = arith.minimumf %min3A_72, %max3A_70 : vector<1x65536xf32>
    %convert_element_type3A_74 = arith.fptosi %min3A_73 : vector<1x65536xf32> to vector<1x65536xi32>
    %ge3A = arith.constant -5.000000e-01 : f32
    %ge3A_75 = vector.broadcast %ge3A : f32 to vector<1x65536xf32>
    %ge3A_76 = arith.cmpf oge, %mul3A_49, %ge3A_75 : vector<1x65536xf32>
    %le3A = arith.constant 2.555000e+02 : f32
    %le3A_77 = vector.broadcast %le3A : f32 to vector<1x65536xf32>
    %le3A_78 = arith.cmpf ole, %mul3A_49, %le3A_77 : vector<1x65536xf32>
    %and3A = arith.andi %ge3A_76, %le3A_78 : vector<1x65536xi1>
    %ge3A_79 = arith.constant -5.000000e-01 : f32
    %ge3A_80 = vector.broadcast %ge3A_79 : f32 to vector<1x65536xf32>
    %ge3A_81 = arith.cmpf oge, %mul3A_58, %ge3A_80 : vector<1x65536xf32>
    %and3A_82 = arith.andi %and3A, %ge3A_81 : vector<1x65536xi1>
    %le3A_83 = arith.constant 2.555000e+02 : f32
    %le3A_84 = vector.broadcast %le3A_83 : f32 to vector<1x65536xf32>
    %le3A_85 = arith.cmpf ole, %mul3A_58, %le3A_84 : vector<1x65536xf32>
    %and3A_86 = arith.andi %and3A_82, %le3A_85 : vector<1x65536xi1>
    %gt3A = arith.constant 5.000000e-03 : f32
    %gt3A_87 = vector.broadcast %gt3A : f32 to vector<1x65536xf32>
    %gt3A_88 = arith.cmpf ogt, %select_n3A_41, %gt3A_87 : vector<1x65536xf32>
    %and3A_89 = arith.andi %and3A_86, %gt3A_88 : vector<1x65536xi1>
    %get3A_90 = arith.constant 0 : index
    %get3A_91 = arith.constant 0 : index
    %get3A_92 = arith.constant 0 : index
    %get3A_93 = vector.load %arg4[%get3A_90, %get3A_91, %get3A_92] : memref<1x1x65536xf32, #tpu.memory_space<vmem>>, vector<1x1x65536xf32>
    %get3A_94 = vector.shape_cast %get3A_93 : vector<1x1x65536xf32> to vector<1x65536xf32>
    %convert_element_type3A_95 = arith.extui %and3A_89 : vector<1x65536xi1> to vector<1x65536xi32>
    %convert_element_type3A_96 = arith.sitofp %convert_element_type3A_95 : vector<1x65536xi32> to vector<1x65536xf32>
    %mul3A_97 = arith.mulf %get3A_94, %convert_element_type3A_96 : vector<1x65536xf32>
    %max3A_98 = arith.constant 0.00999999977 : f32
    %max3A_99 = vector.broadcast %max3A_98 : f32 to vector<1x65536xf32>
    %max3A_100 = arith.maximumf %select_n3A_41, %max3A_99 : vector<1x65536xf32>
    %div3A_101 = arith.divf %mul3A_97, %max3A_100 : vector<1x65536xf32>
    %mul3A_102 = arith.constant 256 : i32
    %mul3A_103 = vector.broadcast %mul3A_102 : i32 to vector<1x65536xi32>
    %mul3A_104 = arith.muli %convert_element_type3A_74, %mul3A_103 : vector<1x65536xi32>
    %add3A_105 = arith.addi %mul3A_104, %convert_element_type3A_64 : vector<1x65536xi32>
    %select_n3A_106 = arith.select %and3A_89, %add3A_105, %iota3A : vector<1x65536xi1>, vector<1x65536xi32>
    %swap3A = arith.constant 0 : index
    %swap3A_107 = arith.constant 0 : index
    %swap3A_108 = arith.constant 0 : index
    %swap3A_109 = vector.load %arg5[%swap3A, %swap3A_107, %swap3A_108] : memref<1x1x65536xi32, #tpu.memory_space<vmem>>, vector<1x1x65536xi32>
    %swap3A_110 = vector.shape_cast %swap3A_109 : vector<1x1x65536xi32> to vector<1x65536xi32>
    %swap3A_111 = vector.shape_cast %select_n3A_106 : vector<1x65536xi32> to vector<1x1x65536xi32>
    tpu.vector_store %arg5[%swap3A, %swap3A_107, %swap3A_108], %swap3A_111 {strides = array<i32>} : memref<1x1x65536xi32, #tpu.memory_space<vmem>>, vector<1x1x65536xi32>,
    %jit3A_112 = arith.constant 0.000000e+00 : f32
    %broadcast_in_dim3A_113 = vector.broadcast %jit3A_112 : f32 to vector<1x65536xf32>
    %select_n3A_114 = arith.select %and3A_89, %div3A_101, %broadcast_in_dim3A_113 : vector<1x65536xi1>, vector<1x65536xf32>
    %swap3A_115 = arith.constant 0 : index
    %swap3A_116 = arith.constant 0 : index
    %swap3A_117 = arith.constant 0 : index
    %swap3A_118 = vector.load %arg6[%swap3A_115, %swap3A_116, %swap3A_117] : memref<1x1x65536xf32, #tpu.memory_space<vmem>>, vector<1x1x65536xf32>
    %swap3A_119 = vector.shape_cast %swap3A_118 : vector<1x1x65536xf32> to vector<1x65536xf32>
    %swap3A_120 = vector.shape_cast %select_n3A_114 : vector<1x65536xf32> to vector<1x1x65536xf32>
    tpu.vector_store %arg6[%swap3A_115, %swap3A_116, %swap3A_117], %swap3A_120 {strides = array<i32>} : memref<1x1x65536xf32, #tpu.memory_space<vmem>>, vector<1x1x65536xf32>,
    return
  }
  func.func @transform_0(%arg0: i32) -> (i32, i32, i32) {
    %c0_i32 = arith.constant 0 : i32
    %c0_i32_0 = arith.constant 0 : i32
    %c0_i32_1 = arith.constant 0 : i32
    return %arg0, %c0_i32, %c0_i32_0 : i32, i32, i32
  }
  func.func @transform_1(%arg0: i32) -> (i32, i32, i32) {
    %c0_i32 = arith.constant 0 : i32
    %c0_i32_0 = arith.constant 0 : i32
    %c0_i32_1 = arith.constant 0 : i32
    return %arg0, %c0_i32, %c0_i32_0 : i32, i32, i32
  }
  func.func @transform_2(%arg0: i32) -> (i32, i32, i32) {
    %c0_i32 = arith.constant 0 : i32
    %c0_i32_0 = arith.constant 0 : i32
    %c0_i32_1 = arith.constant 0 : i32
    return %arg0, %c0_i32, %c0_i32_0 : i32, i32, i32
  }
  func.func @transform_3(%arg0: i32) -> (i32, i32, i32) {
    %c0_i32 = arith.constant 0 : i32
    %c0_i32_0 = arith.constant 0 : i32
    %c0_i32_1 = arith.constant 0 : i32
    return %arg0, %c0_i32, %c0_i32_0 : i32, i32, i32
  }
  func.func @transform_4(%arg0: i32) -> (i32, i32, i32) {
    %c0_i32 = arith.constant 0 : i32
    %c0_i32_0 = arith.constant 0 : i32
    %c0_i32_1 = arith.constant 0 : i32
    return %arg0, %c0_i32, %c0_i32_0 : i32, i32, i32
  }
  func.func @transform_5(%arg0: i32) -> (i32, i32, i32) {
    %c0_i32 = arith.constant 0 : i32
    %c0_i32_0 = arith.constant 0 : i32
    %c0_i32_1 = arith.constant 0 : i32
    return %arg0, %c0_i32, %c0_i32_0 : i32, i32, i32
  }
}

</mosaic_0001>

<sc_bundles>
// kernel: kernel.4.cloned.1.call-start
scs
__scs_entry_jumppad:
0x0: {  	(pc) =	sbr.rel $0x88, $3  }
0x1: {  	(tag) =	ssettag $0x0;
	lr =	simm.s32 $0x1  }
0x2: {  	[smem:$0x3F9A] =	sst lr;
	_ =	strace $0xD0000000  }
0x3: {  	_ = 	snop  }
0x4: {  	_ = 	snop  }
0x5: {  	_ = 	snop  }
0x6: {  	_ = 	snop  }
0x7: {  	_ = 	snop  }
__scs_overlays_trampoline_lowered:
0x8: {  	[smem:$0x3FA9] =	sst s0  }
0x9: {  	[smem:$0x3FAA] =	sst s1  }
0xa: {  	[smem:$0x3FAB] =	sst s2  }
0xb: {  	[smem:$0x3FAC] =	sst s3  }
0xc: {  	[smem:$0x3FAD] =	sst s4  }
0xd: {  	[smem:$0x3FAE] =	sst s5  }
0xe: {  	[smem:$0x3FAF] =	sst s6  }
0xf: {  	[smem:$0x3FB0] =	sst s7  }
0x10: {  	[smem:$0x3FB1] =	sst s8  }
0x11: {  	[smem:$0x3FB2] =	sst s9;
	s0 =	simm.s32 @!p0 $0x0  }
0x12: {  	s1 =	sld [smem:$0x3F98];
	s0 =	simm.s32 @p0 $0x1  }
0x13: {  	[smem:$0x3FB3] =	sst s0;
	s0 =	simm.s32 @!p1 $0x0  }
0x14: {  	s2 =	sld [smem:$0x3F97];
	s0 =	simm.s32 @p1 $0x1  }
0x15: {  	[smem:$0x3FB4] =	sst s0;
	s0 =	simm.s32 @!p2 $0x0  }
0x16: {  	s3 =	sld [smem:$0x3FDB];
	s0 =	simm.s32 @p2 $0x1  }
0x17: {  	s4 =	simm.s32 $0x1BF5;
	[smem:$0x3FB6] =	sst s0  }
0x18: {  	s0 =	sld [smem:$0x3F99];
	_ =	swait.ge [sflag:s4], $0x0  }
0x19: {  	s7 =	sld [smem:$0x3F9A]  }
0x1a: {  	s8 =	sadd.s32 $0xFFFFE003, lr  }
0x1b: {  	s9 =	sadd.s32 $0xFFFFFEF7, lr;
	s5 =	simm.s32 $0xFFFFFFFF;
	p2 =	slt.u32 s8, $0xFFFFF086  }
0x1c: {  	p1 =	slt.u32 s9, $0xF7A;
	s5 =	simm.s32 @!p2 $0x0  }
0x1d: {  	s5 =	simm.s32 @p1 $0x1;
	p0 =	seq.s32 s7, s2  }
0x1e: {  	s7 =	smul.u32 @!p0 $0xF7A, s2;
	p2 =	seq.s32 @!p0 s5, $0x0  }
0x1f: {  	s9 =	smul.u32 $0xF7A, s1;
	s8 =	simm.s32 @!p0 $0x1BF5;
	p2 =	por !p2, p0  }
0x20: {  	[sflag:s8] =	ssyncset.s32 @!p0 $0xFFFFF086;
	s6 =	sadd.s32 @!p0 s3, s7;
	s7 =	simm.s32 @!p0 $0x108  }
0x21: {  	s3 =	sadd.s32 s3, s9;
	s6 =	sadd.s32 @!p0 $0x88, s6;
	s7 =	simm.s32 @p2 $0x1082  }
0x22: {  	[simem:s7], [sflag:s8] =	dma.local @!p0 [hbm:s6], $0xF7A  }
0x23: {  	s9 =	sor.u32 $0xD0000000, s2;
	s6 =	simm.s32 $0x108;
	_ =	swait.ge @!p0 [sflag:s8], $0x0  }
0x24: {  	s3 =	sadd.s32 $0x88, s3;
	s6 =	simm.s32 @!p1 $0x1082;
	[sflag:s4] =	ssyncset.s32 $0xFFFFF086  }
0x25: {  	[simem:s6], [sflag:s4] =	dma.local [hbm:s3], $0xF7A  }
0x26: {  	[smem:$0x3F9A] =	sst s1;
	(tag) =	ssettag s2;
	_ =	strace s9  }
0x27: {  	s1 =	sld [smem:$0x3FAA]  }
0x28: {  	s2 =	sld [smem:$0x3FAB]  }
0x29: {  	s4 =	sld [smem:$0x3FAD]  }
0x2a: {  	p0 =	seq.s32 s5, $0x0;
	s5 =	sld [smem:$0x3FAE]  }
0x2b: {  	s6 =	sld [smem:$0x3FAF]  }
0x2c: {  	s7 =	sld [smem:$0x3FB0]  }
0x2d: {  	s3 =	simm.s32 $0x108;
	s8 =	sld [smem:$0x3FB1]  }
0x2e: {  	s3 =	simm.s32 @!p0 $0x1082;
	s9 =	sld [smem:$0x3FB2]  }
0x2f: {  	lr =	sadd.s32 s0, s3;
	s0 =	sld [smem:$0x3FA9]  }
0x30: {  	s3 =	sld [smem:$0x3FAC]  }
0x31: {  	[smem:$0x3FB5] =	sst s10  }
0x32: {  	s10 =	sld [smem:$0x3FB3];
	_ =	sdelay $0x3  }
0x33: {  	p0 =	seq.s32 s10, $0x1;
	s10 =	sld [smem:$0x3FB5];
	_ =	sdelay $0x3  }
0x34: {  	[smem:$0x3FB5] =	sst s10  }
0x35: {  	s10 =	sld [smem:$0x3FB4];
	_ =	sdelay $0x3  }
0x36: {  	p1 =	seq.s32 s10, $0x1;
	s10 =	sld [smem:$0x3FB5];
	_ =	sdelay $0x3  }
0x37: {  	[smem:$0x3FB5] =	sst s10  }
0x38: {  	s10 =	sld [smem:$0x3FB6]  }
0x39: {  	_ = 	snop;
	(pc) =	sbr.ind lr, $3  }
0x3a: {  	_ = 	snop  }
0x3b: {  	_ = 	snop  }
0x3c: {  	p2 =	seq.s32 s10, $0x1;
	s10 =	sld [smem:$0x3FB5]  }
0x3d: {  	_ =	shalt  }
0x3e: {  	_ =	shalt  }
0x3f: {  	_ =	shalt  }
0x40: {  	_ =	shalt  }
0x41: {  	_ =	shalt  }
0x42: {  	_ =	shalt  }
0x43: {  	_ =	shalt  }
0x44: {  	_ =	shalt  }
0x45: {  	_ =	shalt  }
0x46: {  	_ =	shalt  }
0x47: {  	_ =	shalt  }
0x48: {  	_ =	shalt  }
0x49: {  	_ =	shalt  }
0x4a: {  	_ =	shalt  }
0x4b: {  	_ =	shalt  }
0x4c: {  	_ =	shalt  }
0x4d: {  	_ =	shalt  }
0x4e: {  	_ =	shalt  }
0x4f: {  	_ =	shalt  }
0x50: {  	_ =	shalt  }
0x51: {  	_ =	shalt  }
0x52: {  	_ =	shalt  }
0x53: {  	_ =	shalt  }
0x54: {  	_ =	shalt  }
0x55: {  	_ =	shalt  }
0x56: {  	_ =	shalt  }
0x57: {  	_ =	shalt  }
0x58: {  	_ =	shalt  }
0x59: {  	_ =	shalt  }
0x5a: {  	_ =	shalt  }
0x5b: {  	_ =	shalt  }
0x5c: {  	_ =	shalt  }
0x5d: {  	_ =	shalt  }
0x5e: {  	_ =	shalt  }
0x5f: {  	_ =	shalt  }
0x60: {  	_ =	shalt  }
0x61: {  	_ =	shalt  }
0x62: {  	_ =	shalt  }
0x63: {  	_ =	shalt  }
0x64: {  	_ =	shalt  }
0x65: {  	_ =	shalt  }
0x66: {  	_ =	shalt  }
0x67: {  	_ =	shalt  }
0x68: {  	_ =	shalt  }
0x69: {  	_ =	shalt  }
0x6a: {  	_ =	shalt  }
0x6b: {  	_ =	shalt  }
0x6c: {  	_ =	shalt  }
0x6d: {  	_ =	shalt  }
0x6e: {  	_ =	shalt  }
0x6f: {  	_ =	shalt  }
0x70: {  	_ =	shalt  }
0x71: {  	_ =	shalt  }
0x72: {  	_ =	shalt  }
0x73: {  	_ =	shalt  }
0x74: {  	_ =	shalt  }
0x75: {  	_ =	shalt  }
0x76: {  	_ =	shalt  }
0x77: {  	_ =	shalt  }
0x78: {  	_ =	shalt  }
0x79: {  	_ =	shalt  }
0x7a: {  	_ =	shalt  }
0x7b: {  	_ =	shalt  }
0x7c: {  	_ =	shalt  }
0x7d: {  	_ =	shalt  }
0x7e: {  	_ =	shalt  }
0x7f: {  	_ =	shalt  }
0x80: {  	_ =	shalt  }
0x81: {  	_ =	shalt  }
0x82: {  	_ =	shalt  }
0x83: {  	_ =	shalt  }
0x84: {  	_ =	shalt  }
0x85: {  	_ =	shalt  }
0x86: {  	_ =	shalt  }
0x87: {  	_ =	shalt  }
.Lfunc_end0:
.L_simem_size_0:
called_computation.1_lowered:
.L_overlay_start_0:
0x88: {  	s2 =	sld [smem:$0x3FD9]  }
0x89: {  	s3 =	sld [smem:$0x3FFE];
	_ =	sdelay $0x1  }
0x8a: {  	s1 =	srdreg.scid  }
0x8b: {  	s0 =	sand.u32 $0x1, s1  }
0x8c: {  	s17 =	sshll.u32 s0, $0xA;
	s2 =	sadd.s32 s3, s2  }
0x8d: {  	s2 =	sadd.s32 s2, s17  }
0x8e: {  	[smem:$0x3FC1] =	sst s2  }
0x8f: {  	_ = 	snop  }
0x90: {  	s2 =	sld [smem:$0x3FD0];
	(tm) =	ssettm $0x1  }
0x91: {  	s18 =	sld [smem:$0x3FFB];
	_ =	sdelay $0x3  }
0x92: {  	_ =	strace s18  }
0x93: {  	s3 =	sld [smem:$0x3FFC];
	_ =	sdelay $0x3  }
0x94: {  	_ =	strace s3  }
0x95: {  	s3 =	sld [smem:$0x3FFD];
	_ =	sdelay $0x3  }
0x96: {  	_ =	strace s3  }
0x97: {  	_ =	strace $0x8FFFFFFF  }
0x98: {  	s19 =	sld [smem:$0x3FDB];
	_ =	sdelay $0x1  }
0x99: {  	s4 =	simm.s32 $_scs_section_size  }
0x9a: {  	s5 =	simm.s32 $_size__tile_overlayer_lowered;
	s6 =	simm.s32 $_tile_overlayer_lowered  }
0x9b: {  	s22 =	simm.s32 $0x1BFF;
	s21 =	sshll.u32 s6, $0x1;
	s3 =	sadd.s32 s4, s19  }
0x9c: {  	s7 =	simm.s32 $0x0;
	s20 =	sshll.u32 s5, $0x1;
	s5 =	sadd.s32 s21, s3  }
0x9d: {  	[timem:s7], [sflag:s22] =	dma.local [hbm:s5], s20  }
0x9e: {  	_ =	swait.ge [sflag:s22], s20  }
0x9f: {  	s4 =	ssub.s32 $0x0, s20;
	[sflag:s22] =	ssyncset.done $0x0  }
0xa0: {  	[sflag:s22] =	ssyncadd.s32 s4;
	_ =	sdelay $0x1  }
0xa1: {  	s23 =	simm.s32 $0x1B8B  }
0xa2: {  	_ =	swait.ge [sflag:s23], $0x1  }
0xa3: {  	[sflag:s23] =	ssyncset.done $0x0  }
0xa4: {  	s25 =	simm.s32 $0x1B8E;
	s24 =	sld [smem:$0x3FFE];
	[sflag:s23] =	ssyncadd.s32 $0xFFFFFFFF  }
0xa5: {  	s26 =	simm.s32 $execute0_lowered;
	[smem:$0x3FD2] =	sst s25  }
0xa6: {  	s5 =	sshll.u32 s26, $0x1;
	_ =	strace $0x80000049;
	[dreg:$0x1] =	wrdreg $0xFFFFFFFF  }
0xa7: {  	s28 =	simm.s32 $_size_execute0_lowered;
	s3 =	sadd.s32 s3, s5;
	[dreg:$0x0] =	wrdreg $0x0  }
0xa8: {  	s5 =	sshll.u32 s28, $0x1;
	[dreg:$0x2] =	wrdreg s3  }
0xa9: {  	[dreg:$0x3] =	wrdreg s5  }
0xaa: {  	[dreg:$0x4] =	wrdreg $0xC0  }
0xab: {  	_ =	task [dreg:s7], $0x5FFFF  }
0xac: {  	[dreg:$0x1] =	wrdreg $0xFFFFFFFF  }
0xad: {  	[dreg:$0x0] =	wrdreg $0x60  }
0xae: {  	[dreg:$0x2] =	wrdreg s24  }
0xaf: {  	[dreg:$0x3] =	wrdreg s2  }
0xb0: {  	[dreg:$0x4] =	wrdreg $0x0  }
0xb1: {  	[dreg:$0x5] =	wrdreg $0x100000  }
0xb2: {  	[dreg:$0x6] =	wrdreg $0x9  }
0xb3: {  	_ =	task.clear_ibuf [dreg:s7], $0x7FFFF;
	_ =	strace $0x90000049  }
0xb4: {  	s29 =	simm.s32 $0x9;
	_ =	strace $0x8000004B  }
0xb5: {  	_ =	swait.ge [sflag:s29], $0x1  }
0xb6: {  	[sflag:s29] =	ssyncadd.s32 $0xFFFFFFFF  }
0xb7: {  	_ =	strace $0x9000004B  }
0xb8: {  	_ =	sfence  }
0xb9: {  	s30 =	sld [smem:$0x0];
	_ =	sdelay $0x2  }
0xba: {  	s31 =	sshll.u32 s1, $0xD;
	s1 =	sshrl.u32 s1, $0x2  }
0xbb: {  	s3 =	sand.u32 $0x4000, s31;
	s1 =	sadd.s32 s1, s30  }
0xbc: {  	s0 =	sor.u32 s3, s0;
	s1 =	sshll.u32 s1, $0x11  }
0xbd: {  	s0 =	sor.u32 s1, s0  }
0xbe: {  	s0 =	sadd.s32 $0x8F2B, s0  }
0xbf: {  	[sflag:s0] =	ssyncadd.remote.s32 $0x1  }
0xc0: {  	_ =	sfence.sel $0xFFFF  }
0xc1: {  	[dreg:$0x0] =	wrdreg $0xFFFFFFFF;
	(pc) =	sbr.abs _section_cstart, $3  }
0xc2: {  	[dreg:$0x1] =	wrdreg $0xFFFFFFFF  }
0xc3: {  	_ =	task.clear_ibuf [dreg:s7], $0x2FFFF;
	_ =	strace $0x9FFFFFFF  }
0xc4: {  	(tm) =	ssettm $0x7FFFFFFF  }
0xc5: {  	_ =	shalt  }
tec
execute0_lowered:
.L_overlay_start_1:
0x0: {  	(tag) =	ssettag $0x1  }
0x1: {  	s0 =	rddreg [dreg:$0x0]  }
0x2: {  	s4 =	rddreg [dreg:$0x2]  }
0x3: {  	s5 =	rddreg [dreg:$0x3]  }
0x4: {  	s2 =	simm.s32 $0x0;
	s1 =	srdreg.scid;
	s6 =	stileid.u32  }
0x5: {  	s28 =	simm.s32 $0x2;
	s31 =	simm.s32 $0x11C00;
	s29 =	simm.s32 $0x1  }
0x6: {  	[smem:$0x7FF] =	sst s2;
	s1 =	sand.u32 $0x1, s1;
	s24 =	sadd.s32 $0x1C00, s0  }
0x7: {  	s3 =	sadd.s32 $0x11C00, s0;
	s7 =	sadd.s32 $0x21C00, s0;
	s30 =	sshll.u32 s6, $0x10  }
0x8: {  	s12 =	smov.u32 s4;
	s13 =	sadd.s32 $0x27C00, s0;
	s14 =	sadd.s32 $0x29C00, s0  }
0x9: {  	s15 =	sadd.s32 $0x2BC00, s0;
	s16 =	sadd.s32 $0x2DC00, s0;
	s17 =	sadd.s32 $0x2FC00, s0  }
0xa: {  	s18 =	sadd.s32 $0x31C00, s0;
	_ =	strace $0x8000004A;
	[dreg:$0x5] =	wrdreg s24  }
0xb: {  	s19 =	sadd.s32 $0x33C00, s0;
	s20 =	sadd.s32 $0x35C00, s0;
	[dreg:$0x6] =	wrdreg s3  }
0xc: {  	s25 =	ssub.s32 $0x2, s1;
	[dreg:$0x7] =	wrdreg s7;
	s1 =	sshll.u32 s1, $0x14  }
0xd: {  	s3 =	sadd.s32 s30, s4;
	s4 =	sadd.s32 $0x23C00, s0;
	[dreg:$0x9] =	wrdreg s1  }
0xe: {  	s21 =	sadd.s32 $0x37C00, s0;
	s7 =	sadd.s32 $0x25C00, s0;
	[dreg:$0xa] =	wrdreg s4  }
0xf: {  	s22 =	sadd.s32 $0x39C00, s0;
	s23 =	sadd.s32 $0x3BC00, s0;
	[dreg:$0xb] =	wrdreg s7  }
0x10: {  	s24 =	sadd.s32 $0x3DC00, s0;
	s10 =	sadd.s32 $0x4000, s3;
	[dreg:$0x8] =	wrdreg s3  }
0x11: {  	s26 =	sshrl.u32 s25, $0x1;
	s11 =	sadd.s32 $0x8000, s3;
	[dreg:$0xe] =	wrdreg s10  }
0x12: {  	s30 =	sadd.s32 $0xC000, s3;
	s2 =	ssub.s32 s25, s26;
	[dreg:$0xf] =	wrdreg s11  }
0x13: {  	s25 =	sadd.s32 $0x3FC00, s0;
	s26 =	sshll.u32 s6, $0xC;
	[dreg:$0x10] =	wrdreg s30  }
0x14: {  	s10 =	simm.s32 $0x11800;
	s0 =	simm.s32 $0x15C00;
	s8 =	smax.u32 s2, $0x1  }
0x15: {  	v1 =	vlaneseq.u32;
	s9 =	sadd.s32 s26, s5;
	s5 =	simm.s32 $0x19C00;
	[dreg:$0xc] =	wrdreg s8  }
0x16: {  	v0 =	vimm.f32 $0.0e+00;
	v1 =	vmul.u32 $0x10, v1;
	s2 =	simm.s32 $0x0;
	[dreg:$0xd] =	wrdreg s9;
	s9 =	simm.s32 $0x400  }
.LBB2_1:
0x17: {  	[dreg:$0x11] =	wrdreg s2;
	s1 =	simm.s32 $0x40;
	s2 =	simm.s32 $0x0  }
.LBB2_2:
0x18: {  	p0 =	sne.s32 s1, $0xFFC0;
	[tilespmem:s2+$0x19C00] =	vst v0;
	s2 =	smov.u32 s1;
	s1 =	sadd.s32 $0x40, s1  }
.Ltmp0:
0x19: {  	(pc) =	sbr.rel @p0 .LBB2_2-.Ltmp0, $2  }
0x1a: {  	_ =	sdelay $0x2  }
0x1b: {  	s2 =	sshra.s32 s2, $0x2  }
0x1c: {  	[tilespmem:s2+$0x19C00] =	vst v0;
	s3 =	simm.s32 $0x0;
	s1 =	simm.s32 $0x40;
	s2 =	simm.s32 $0x0  }
.LBB2_4:
0x1d: {  	p0 =	sne.s32 s1, $0x3FC0;
	[tilespmem:s2+$0x1DC00] =	vst v0;
	s2 =	smov.u32 s1;
	s1 =	sadd.s32 $0x40, s1  }
.Ltmp1:
0x1e: {  	(pc) =	sbr.rel @p0 .LBB2_4-.Ltmp1, $2  }
0x1f: {  	_ =	sdelay $0x2  }
0x20: {  	s2 =	sshra.s32 s2, $0x2  }
0x21: {  	[tilespmem:s2+$0x1DC00] =	vst v0  }
.LBB2_6:
0x22: {  	s1 =	rddreg [dreg:$0x8]  }
0x23: {  	[spmem:s1] =	stream.linear.scatter [tilespmem:s5], [sflag:$0x2], $0x4000, $0x38;
	[tilespmem:$0x1EC00] =	vst v63  }
0x24: {  	_ =	swait.ge [sflag:s28], $0x4000  }
0x25: {  	[sflag:s28] =	ssyncset.done $0x0  }
0x26: {  	s2 =	rddreg [dreg:$0xe];
	[sflag:s28] =	ssyncadd.s32 $0xFFFFC000  }
0x27: {  	[spmem:s2] =	stream.linear.scatter [tilespmem:s5], [sflag:$0x2], $0x4000, $0x38;
	[tilespmem:$0x1EC00] =	vst v63  }
0x28: {  	_ =	swait.ge [sflag:s28], $0x4000  }
0x29: {  	[sflag:s28] =	ssyncset.done $0x0  }
0x2a: {  	s4 =	rddreg [dreg:$0xf];
	[sflag:s28] =	ssyncadd.s32 $0xFFFFC000  }
0x2b: {  	[spmem:s4] =	stream.linear.scatter [tilespmem:s5], [sflag:$0x2], $0x4000, $0x38;
	[tilespmem:$0x1EC00] =	vst v63  }
0x2c: {  	_ =	swait.ge [sflag:s28], $0x4000  }
0x2d: {  	[sflag:s28] =	ssyncset.done $0x0  }
0x2e: {  	s6 =	rddreg [dreg:$0x10];
	[sflag:s28] =	ssyncadd.s32 $0xFFFFC000  }
0x2f: {  	[spmem:s6] =	stream.linear.scatter [tilespmem:s5], [sflag:$0x2], $0x4000, $0x38;
	[tilespmem:$0x1EC00] =	vst v63  }
0x30: {  	_ =	swait.ge [sflag:s28], $0x4000  }
0x31: {  	[sflag:s28] =	ssyncset.done $0x0  }
0x32: {  	s2 =	simm.s32 $0x1DC00;
	s7 =	rddreg [dreg:$0xd];
	[sflag:s28] =	ssyncadd.s32 $0xFFFFC000  }
0x33: {  	[spmem:s7] =	stream.linear.scatter [tilespmem:s2], [sflag:$0x2], $0x1000, $0x38;
	[tilespmem:$0x1EC00] =	vst v63  }
0x34: {  	_ =	swait.ge [sflag:s28], $0x1000  }
0x35: {  	[sflag:s28] =	ssyncset.done $0x0  }
0x36: {  	[dreg:$0x12] =	wrdreg s3;
	[sflag:s28] =	ssyncadd.s32 $0xFFFFF000  }
0x37: {  	[bflag:$0x0] =	sbarrier.arrive $0xFFFF  }
0x38: {  	s11 =	sshll.u32 s3, $0x15;
	s30 =	rddreg [dreg:$0x9]  }
0x39: {  	s8 =	sshll.u32 s3, $0x10;
	s4 =	simm.s32 $0x0;
	s1 =	sor.u32 s11, s30  }
0x3a: {  	s2 =	sor.u32 s26, s8;
	s3 =	simm.s32 $0x0;
	s1 =	sor.u32 s26, s1  }
.LBB2_7:
0x3b: {  	s7 =	sshll.u32 s4, $0xA  }
0x3c: {  	s6 =	sadd.s32 s2, s7;
	s8 =	sand.u32 $0x400, s7  }
0x3d: {  	s11 =	sshrl.u32 s6, $0x3;
	s6 =	sor.u32 $0x11000, s8;
	s8 =	rddreg [dreg:$0x5]  }
0x3e: {  	s30 =	simm.s32 $0x0;
	s8 =	sadd.s32 s8, s11  }
0x3f: {  	[tilespmem:s6], [sflag:$0x2] =	stream.linear.gather [hbm4b:s8+s30], $0x400, $0x38;
	[tilespmem:$0x1EC00] =	vst v63  }
0x40: {  	_ =	swait.ge [sflag:s28], $0x400  }
0x41: {  	[sflag:s28] =	ssyncset.done $0x0;
	s8 =	rddreg [dreg:$0x6]  }
0x42: {  	[sflag:s28] =	ssyncadd.s32 $0xFFFFFC00;
	s8 =	sadd.s32 s8, s11  }
0x43: {  	[tilespmem:s10], [sflag:$0x2] =	stream.linear.gather [hbm4b:s8+s30], $0x400, $0x38;
	[tilespmem:$0x1EC00] =	vst v63  }
0x44: {  	_ =	swait.ge [sflag:s28], $0x400  }
0x45: {  	[sflag:s28] =	ssyncset.done $0x0  }
0x46: {  	s7 =	sadd.s32 s1, s7;
	[sflag:s28] =	ssyncadd.s32 $0xFFFFFC00  }
0x47: {  	s7 =	sshrl.u32 s7, $0x3;
	s11 =	rddreg [dreg:$0x1]  }
0x48: {  	s7 =	sadd.s32 s11, s7;
	s11 =	simm.s32 $0x10000  }
0x49: {  	[tilespmem:s31], [sflag:$0x2] =	stream.strided.gather [hbm4b:s7+s9], $0x4000, s11, s9, $0x38;
	[tilespmem:$0x1EC00] =	vst v63  }
0x4a: {  	_ =	swait.ge [sflag:s28], $0x4000  }
0x4b: {  	p0 =	seq.s32 s4, $0x0;
	[sflag:s28] =	ssyncset.done $0x0  }
0x4c: {  	s7 =	simm.s32 @!p0 $0x1;
	[sflag:s28] =	ssyncadd.s32 $0xFFFFC000  }
0x4d: {  	_ =	swait.ge @!p0 [sflag:s7], $0x4000  }
0x4e: {  	[sflag:s7] =	ssyncset.done @!p0 $0x0  }
0x4f: {  	s30 =	simm.s32 $0x11800;
	[sflag:s7] =	ssyncadd.s32 @!p0 $0xFFFFC000  }
0x50: {  	s7 =	simm.s32 $0x13C00;
	v2 =	vld [tilespmem:s30+$0x0]  }
0x51: {  	v3 =	vmov s3;
	v4 =	vld [tilespmem:s7+$0xFFFFE000]  }
0x52: {  	v3 =	vshll.u32 v3, $0x4  }
0x53: {  	v3 =	vor.u32 v1, v3;
	_ =	sdelay $0x2  }
0x54: {  	v4 =	vmul.f32 v4, v2;
	_ =	sdelay $0x1  }
0x55: {  	[tilespmem:v3+s0+$0x0] =	vst.idx.msk $0xffff, v4  }
0x56: {  	v4 =	vld [tilespmem:s7+$0xFFFFE400];
	_ =	sdelay $0x1  }
0x57: {  	v5 =	vor.u32 $0x1, v3;
	_ =	sdelay $0x2  }
0x58: {  	v4 =	vmul.f32 v4, v2;
	_ =	sdelay $0x1  }
0x59: {  	[tilespmem:v5+s0+$0x0] =	vst.idx.msk $0xffff, v4  }
0x5a: {  	v4 =	vld [tilespmem:s7+$0xFFFFE800];
	_ =	sdelay $0x1  }
0x5b: {  	v5 =	vor.u32 $0x2, v3;
	_ =	sdelay $0x2  }
0x5c: {  	v4 =	vmul.f32 v4, v2;
	_ =	sdelay $0x1  }
0x5d: {  	[tilespmem:v5+s0+$0x0] =	vst.idx.msk $0xffff, v4  }
0x5e: {  	v4 =	vld [tilespmem:s7+$0xFFFFEC00];
	_ =	sdelay $0x1  }
0x5f: {  	v5 =	vor.u32 $0x3, v3;
	_ =	sdelay $0x2  }
0x60: {  	v4 =	vmul.f32 v4, v2;
	_ =	sdelay $0x1  }
0x61: {  	[tilespmem:v5+s0+$0x0] =	vst.idx.msk $0xffff, v4  }
0x62: {  	v4 =	vld [tilespmem:s7+$0xFFFFF000];
	_ =	sdelay $0x1  }
0x63: {  	v5 =	vor.u32 $0x4, v3;
	_ =	sdelay $0x2  }
0x64: {  	v4 =	vmul.f32 v4, v2;
	_ =	sdelay $0x1  }
0x65: {  	[tilespmem:v5+s0+$0x0] =	vst.idx.msk $0xffff, v4  }
0x66: {  	v4 =	vld [tilespmem:s7+$0xFFFFF400];
	_ =	sdelay $0x1  }
0x67: {  	v5 =	vor.u32 $0x5, v3;
	_ =	sdelay $0x2  }
0x68: {  	v4 =	vmul.f32 v4, v2;
	_ =	sdelay $0x1  }
0x69: {  	[tilespmem:v5+s0+$0x0] =	vst.idx.msk $0xffff, v4  }
0x6a: {  	v4 =	vld [tilespmem:s7+$0xFFFFF800];
	_ =	sdelay $0x1  }
0x6b: {  	v5 =	vor.u32 $0x6, v3;
	_ =	sdelay $0x2  }
0x6c: {  	v4 =	vmul.f32 v4, v2;
	_ =	sdelay $0x1  }
0x6d: {  	[tilespmem:v5+s0+$0x0] =	vst.idx.msk $0xffff, v4  }
0x6e: {  	v4 =	vld [tilespmem:s7+$0xFFFFFC00];
	_ =	sdelay $0x1  }
0x6f: {  	v5 =	vor.u32 $0x7, v3;
	_ =	sdelay $0x2  }
0x70: {  	v4 =	vmul.f32 v4, v2;
	_ =	sdelay $0x1  }
0x71: {  	[tilespmem:v5+s0+$0x0] =	vst.idx.msk $0xffff, v4  }
0x72: {  	v4 =	vld [tilespmem:s7+$0x0];
	_ =	sdelay $0x1  }
0x73: {  	v5 =	vor.u32 $0x8, v3;
	_ =	sdelay $0x2  }
0x74: {  	v4 =	vmul.f32 v4, v2;
	_ =	sdelay $0x1  }
0x75: {  	[tilespmem:v5+s0+$0x0] =	vst.idx.msk $0xffff, v4  }
0x76: {  	v4 =	vld [tilespmem:s7+$0x400];
	_ =	sdelay $0x1  }
0x77: {  	v5 =	vor.u32 $0x9, v3;
	_ =	sdelay $0x2  }
0x78: {  	v4 =	vmul.f32 v4, v2;
	_ =	sdelay $0x1  }
0x79: {  	[tilespmem:v5+s0+$0x0] =	vst.idx.msk $0xffff, v4  }
0x7a: {  	v4 =	vld [tilespmem:s7+$0x800];
	_ =	sdelay $0x1  }
0x7b: {  	v5 =	vor.u32 $0xA, v3;
	_ =	sdelay $0x2  }
0x7c: {  	v4 =	vmul.f32 v4, v2;
	_ =	sdelay $0x1  }
0x7d: {  	[tilespmem:v5+s0+$0x0] =	vst.idx.msk $0xffff, v4  }
0x7e: {  	v4 =	vld [tilespmem:s7+$0xC00];
	_ =	sdelay $0x1  }
0x7f: {  	v5 =	vor.u32 $0xB, v3;
	_ =	sdelay $0x2  }
0x80: {  	v4 =	vmul.f32 v4, v2;
	_ =	sdelay $0x1  }
0x81: {  	[tilespmem:v5+s0+$0x0] =	vst.idx.msk $0xffff, v4  }
0x82: {  	v4 =	vld [tilespmem:s7+$0x1000];
	_ =	sdelay $0x1  }
0x83: {  	v5 =	vor.u32 $0xC, v3;
	_ =	sdelay $0x2  }
0x84: {  	v4 =	vmul.f32 v4, v2;
	_ =	sdelay $0x1  }
0x85: {  	[tilespmem:v5+s0+$0x0] =	vst.idx.msk $0xffff, v4  }
0x86: {  	v4 =	vld [tilespmem:s7+$0x1400];
	_ =	sdelay $0x1  }
0x87: {  	v5 =	vor.u32 $0xD, v3;
	_ =	sdelay $0x2  }
0x88: {  	v4 =	vmul.f32 v4, v2;
	_ =	sdelay $0x1  }
0x89: {  	[tilespmem:v5+s0+$0x0] =	vst.idx.msk $0xffff, v4  }
0x8a: {  	v4 =	vld [tilespmem:s7+$0x1800];
	_ =	sdelay $0x1  }
0x8b: {  	v5 =	vor.u32 $0xE, v3;
	_ =	sdelay $0x2  }
0x8c: {  	v4 =	vmul.f32 v4, v2;
	_ =	sdelay $0x1  }
0x8d: {  	[tilespmem:v5+s0+$0x0] =	vst.idx.msk $0xffff, v4  }
0x8e: {  	v4 =	vld [tilespmem:s7+$0x1C00];
	_ =	sdelay $0x1  }
0x8f: {  	v3 =	vor.u32 $0xF, v3;
	_ =	sdelay $0x2  }
0x90: {  	s8 =	simm.s32 $0x10;
	v2 =	vmul.f32 v4, v2  }
.LBB2_8:
0x91: {  	_ = 	snop  }
0x92: {  	p0 =	sne.s32 s8, $0x3F0;
	s30 =	sadd.s32 $0x10, s30;
	s7 =	sadd.s32 $0x10, s7;
	[tilespmem:v3+s0+$0x0] =	vst.idx.msk $0xffff, v2  }
0x93: {  	s11 =	smov.u32 s8;
	s8 =	sadd.s32 $0x10, s8;
	v2 =	vld [tilespmem:s30+$0x0]  }
0x94: {  	v3 =	vmov s11;
	v4 =	vld [tilespmem:s7+$0xFFFFE000]  }
0x95: {  	v3 =	vshll.u32 v3, $0x4  }
0x96: {  	v3 =	vor.u32 v1, v3;
	_ =	sdelay $0x2  }
0x97: {  	v4 =	vmul.f32 v4, v2;
	_ =	sdelay $0x1  }
0x98: {  	[tilespmem:v3+s0+$0x0] =	vst.idx.msk $0xffff, v4  }
0x99: {  	v4 =	vld [tilespmem:s7+$0xFFFFE400];
	_ =	sdelay $0x1  }
0x9a: {  	v5 =	vor.u32 $0x1, v3;
	_ =	sdelay $0x2  }
0x9b: {  	v4 =	vmul.f32 v4, v2;
	_ =	sdelay $0x1  }
0x9c: {  	[tilespmem:v5+s0+$0x0] =	vst.idx.msk $0xffff, v4  }
0x9d: {  	v4 =	vld [tilespmem:s7+$0xFFFFE800];
	_ =	sdelay $0x1  }
0x9e: {  	v5 =	vor.u32 $0x2, v3;
	_ =	sdelay $0x2  }
0x9f: {  	v4 =	vmul.f32 v4, v2;
	_ =	sdelay $0x1  }
0xa0: {  	[tilespmem:v5+s0+$0x0] =	vst.idx.msk $0xffff, v4  }
0xa1: {  	v4 =	vld [tilespmem:s7+$0xFFFFEC00];
	_ =	sdelay $0x1  }
0xa2: {  	v5 =	vor.u32 $0x3, v3;
	_ =	sdelay $0x2  }
0xa3: {  	v4 =	vmul.f32 v4, v2;
	_ =	sdelay $0x1  }
0xa4: {  	[tilespmem:v5+s0+$0x0] =	vst.idx.msk $0xffff, v4  }
0xa5: {  	v4 =	vld [tilespmem:s7+$0xFFFFF000];
	_ =	sdelay $0x1  }
0xa6: {  	v5 =	vor.u32 $0x4, v3;
	_ =	sdelay $0x2  }
0xa7: {  	v4 =	vmul.f32 v4, v2;
	_ =	sdelay $0x1  }
0xa8: {  	[tilespmem:v5+s0+$0x0] =	vst.idx.msk $0xffff, v4  }
0xa9: {  	v4 =	vld [tilespmem:s7+$0xFFFFF400];
	_ =	sdelay $0x1  }
0xaa: {  	v5 =	vor.u32 $0x5, v3;
	_ =	sdelay $0x2  }
0xab: {  	v4 =	vmul.f32 v4, v2;
	_ =	sdelay $0x1  }
0xac: {  	[tilespmem:v5+s0+$0x0] =	vst.idx.msk $0xffff, v4  }
0xad: {  	v4 =	vld [tilespmem:s7+$0xFFFFF800];
	_ =	sdelay $0x1  }
0xae: {  	v5 =	vor.u32 $0x6, v3;
	_ =	sdelay $0x2  }
0xaf: {  	v4 =	vmul.f32 v4, v2;
	_ =	sdelay $0x1  }
0xb0: {  	[tilespmem:v5+s0+$0x0] =	vst.idx.msk $0xffff, v4  }
0xb1: {  	v4 =	vld [tilespmem:s7+$0xFFFFFC00];
	_ =	sdelay $0x1  }
0xb2: {  	v5 =	vor.u32 $0x7, v3;
	_ =	sdelay $0x2  }
0xb3: {  	v4 =	vmul.f32 v4, v2;
	_ =	sdelay $0x1  }
0xb4: {  	[tilespmem:v5+s0+$0x0] =	vst.idx.msk $0xffff, v4  }
0xb5: {  	v4 =	vld [tilespmem:s7+$0x0];
	_ =	sdelay $0x1  }
0xb6: {  	v5 =	vor.u32 $0x8, v3;
	_ =	sdelay $0x2  }
0xb7: {  	v4 =	vmul.f32 v4, v2;
	_ =	sdelay $0x1  }
0xb8: {  	[tilespmem:v5+s0+$0x0] =	vst.idx.msk $0xffff, v4  }
0xb9: {  	v4 =	vld [tilespmem:s7+$0x400];
	_ =	sdelay $0x1  }
0xba: {  	v5 =	vor.u32 $0x9, v3;
	_ =	sdelay $0x2  }
0xbb: {  	v4 =	vmul.f32 v4, v2;
	_ =	sdelay $0x1  }
0xbc: {  	[tilespmem:v5+s0+$0x0] =	vst.idx.msk $0xffff, v4  }
0xbd: {  	v4 =	vld [tilespmem:s7+$0x800];
	_ =	sdelay $0x1  }
0xbe: {  	v5 =	vor.u32 $0xA, v3;
	_ =	sdelay $0x2  }
0xbf: {  	v4 =	vmul.f32 v4, v2;
	_ =	sdelay $0x1  }
0xc0: {  	[tilespmem:v5+s0+$0x0] =	vst.idx.msk $0xffff, v4  }
0xc1: {  	v4 =	vld [tilespmem:s7+$0xC00];
	_ =	sdelay $0x1  }
0xc2: {  	v5 =	vor.u32 $0xB, v3;
	_ =	sdelay $0x2  }
0xc3: {  	v4 =	vmul.f32 v4, v2;
	_ =	sdelay $0x1  }
0xc4: {  	[tilespmem:v5+s0+$0x0] =	vst.idx.msk $0xffff, v4  }
0xc5: {  	v4 =	vld [tilespmem:s7+$0x1000];
	_ =	sdelay $0x1  }
0xc6: {  	v5 =	vor.u32 $0xC, v3;
	_ =	sdelay $0x2  }
0xc7: {  	v4 =	vmul.f32 v4, v2;
	_ =	sdelay $0x1  }
0xc8: {  	[tilespmem:v5+s0+$0x0] =	vst.idx.msk $0xffff, v4  }
0xc9: {  	v4 =	vld [tilespmem:s7+$0x1400];
	_ =	sdelay $0x1  }
0xca: {  	v5 =	vor.u32 $0xD, v3;
	_ =	sdelay $0x2  }
0xcb: {  	v4 =	vmul.f32 v4, v2;
	_ =	sdelay $0x1  }
0xcc: {  	[tilespmem:v5+s0+$0x0] =	vst.idx.msk $0xffff, v4  }
0xcd: {  	v4 =	vld [tilespmem:s7+$0x1800];
	_ =	sdelay $0x1  }
0xce: {  	v5 =	vor.u32 $0xE, v3;
	_ =	sdelay $0x2  }
0xcf: {  	v4 =	vmul.f32 v4, v2;
	_ =	sdelay $0x1  }
0xd0: {  	[tilespmem:v5+s0+$0x0] =	vst.idx.msk $0xffff, v4  }
0xd1: {  	v4 =	vld [tilespmem:s7+$0x1C00]  }
.Ltmp2:
0xd2: {  	(pc) =	sbr.rel @p0 .LBB2_8-.Ltmp2, $2  }
0xd3: {  	v3 =	vor.u32 $0xF, v3;
	_ =	sdelay $0x2  }
0xd4: {  	v2 =	vmul.f32 v4, v2  }
0xd5: {  	_ =	sdelay $0x2  }
0xd6: {  	s4 =	sadd.s32 $0x1, s4  }
0xd7: {  	[tilespmem:v3+s0+$0x0] =	vst.idx.msk $0xffff, v2;
	p0 =	sne.s32 s4, $0x4  }
0xd8: {  	[spmem:s12] =	stream.indirect.scatter.add.f32 [tilespmem:s0], [sflag:$0x1], $0x10, s6, s9, $0xb8;
	[tilespmem:$0x1EC00] =	vst v63  }
.Ltmp3:
0xd9: {  	s7 =	rddreg [dreg:$0x3];
	(pc) =	sbr.rel @p0 .LBB2_7-.Ltmp3, $4  }
0xda: {  	[spmem:s7] =	stream.indirect.scatter.add.f32 [tilespmem:s10], [sflag:$0x2], $0x1, s6, s9, $0xb8;
	[tilespmem:$0x1EC00] =	vst v63  }
0xdb: {  	_ =	swait.ge [sflag:s28], $0x400  }
0xdc: {  	[sflag:s28] =	ssyncset.done $0x0  }
0xdd: {  	[sflag:s28] =	ssyncadd.s32 $0xFFFFFC00  }
0xde: {  	_ =	swait.ge [sflag:s29], $0x4000  }
0xdf: {  	[sflag:s29] =	ssyncset.done $0x0  }
0xe0: {  	[sflag:s29] =	ssyncadd.s32 $0xFFFFC000  }
0xe1: {  	[bflag:$0x0] =	sbarrier.arrive $0xFFFF  }
0xe2: {  	s3 =	simm.s32 $0x1DC00;
	s2 =	rddreg [dreg:$0xd]  }
0xe3: {  	[tilespmem:s3], [sflag:$0x2] =	stream.linear.gather [spmem:s2], $0x1000, $0x38;
	[tilespmem:$0x1EC00] =	vst v63  }
0xe4: {  	_ =	swait.ge [sflag:s28], $0x1000  }
0xe5: {  	[sflag:s28] =	ssyncset.done $0x0  }
0xe6: {  	s30 =	simm.s32 $0x0;
	s2 =	simm.s32 $0x0;
	[sflag:s28] =	ssyncadd.s32 $0xFFFFF000  }
.LBB2_11:
0xe7: {  	s4 =	sshll.u32 s2, $0xA  }
0xe8: {  	s6 =	sadd.s32 s26, s4  }
0xe9: {  	s6 =	sshll.u32 s6, $0x4  }
0xea: {  	s6 =	sand.u32 $0x3FFFFFF0, s6  }
0xeb: {  	s6 =	sadd.s32 s6, s12  }
0xec: {  	[tilespmem:s5], [sflag:$0x2] =	stream.linear.gather [spmem:s6], $0x4000, $0x38;
	[tilespmem:$0x1EC00] =	vst v63  }
0xed: {  	_ =	swait.ge [sflag:s28], $0x4000  }
0xee: {  	[sflag:s28] =	ssyncset.done $0x0  }
0xef: {  	[sflag:s28] =	ssyncadd.s32 $0xFFFFC000  }
0xf0: {  	v2 =	vld [tilespmem:s3+$0x0];
	_ =	sdelay $0x4  }
0xf1: {  	v3 =	vmov s30;
	v2 =	vadd.f32 $9.999999930e-09, v2  }
0xf2: {  	v3 =	vshll.u32 v3, $0x4  }
0xf3: {  	v3 =	vor.u32 v1, v3;
	(erf) = vrcp.f32 v2;
	_ =	sdelay $0x4  }
0xf4: {  	v2 =	vld.idx.msk [tilespmem:v3+s5+$0x0], $0xffff;
	_ =	sdelay $0x2  }
0xf5: {  	v4 =	vor.u32 $0x1, v3  }
0xf6: {  	v5 =	vpop (erf)  }
0xf7: {  	v2 =	vmul.f32 v5, v2  }
0xf8: {  	s6 =	simm.s32 $0x13C00  }
0xf9: {  	[tilespmem:s6+$0xFFFFE000] =	vst v2  }
0xfa: {  	v2 =	vld.idx.msk [tilespmem:v4+s5+$0x0], $0xffff;
	_ =	sdelay $0x2  }
0xfb: {  	v51 =	vor.u32 $0x2, v3;
	_ =	sdelay $0x1  }
0xfc: {  	v2 =	vmul.f32 v2, v5;
	_ =	sdelay $0x1  }
0xfd: {  	[tilespmem:s6+$0xFFFFE400] =	vst v2  }
0xfe: {  	v2 =	vld.idx.msk [tilespmem:v51+s5+$0x0], $0xffff;
	_ =	sdelay $0x2  }
0xff: {  	v52 =	vor.u32 $0x3, v3;
	_ =	sdelay $0x1  }
0x100: {  	v2 =	vmul.f32 v2, v5;
	_ =	sdelay $0x1  }
0x101: {  	[tilespmem:s6+$0xFFFFE800] =	vst v2  }
0x102: {  	v2 =	vld.idx.msk [tilespmem:v52+s5+$0x0], $0xffff;
	_ =	sdelay $0x2  }
0x103: {  	v53 =	vor.u32 $0x4, v3;
	_ =	sdelay $0x1  }
0x104: {  	v2 =	vmul.f32 v2, v5;
	_ =	sdelay $0x1  }
0x105: {  	[tilespmem:s6+$0xFFFFEC00] =	vst v2  }
0x106: {  	v2 =	vld.idx.msk [tilespmem:v53+s5+$0x0], $0xffff;
	_ =	sdelay $0x2  }
0x107: {  	v54 =	vor.u32 $0x5, v3;
	_ =	sdelay $0x1  }
0x108: {  	v2 =	vmul.f32 v2, v5;
	_ =	sdelay $0x1  }
0x109: {  	[tilespmem:s6+$0xFFFFF000] =	vst v2  }
0x10a: {  	v2 =	vld.idx.msk [tilespmem:v54+s5+$0x0], $0xffff;
	_ =	sdelay $0x2  }
0x10b: {  	v55 =	vor.u32 $0x6, v3;
	_ =	sdelay $0x1  }
0x10c: {  	v2 =	vmul.f32 v2, v5;
	_ =	sdelay $0x1  }
0x10d: {  	[tilespmem:s6+$0xFFFFF400] =	vst v2  }
0x10e: {  	v2 =	vld.idx.msk [tilespmem:v55+s5+$0x0], $0xffff;
	_ =	sdelay $0x2  }
0x10f: {  	v56 =	vor.u32 $0x7, v3;
	_ =	sdelay $0x1  }
0x110: {  	v2 =	vmul.f32 v2, v5;
	_ =	sdelay $0x1  }
0x111: {  	[tilespmem:s6+$0xFFFFF800] =	vst v2  }
0x112: {  	v2 =	vld.idx.msk [tilespmem:v56+s5+$0x0], $0xffff;
	_ =	sdelay $0x2  }
0x113: {  	v57 =	vor.u32 $0x8, v3;
	_ =	sdelay $0x1  }
0x114: {  	v2 =	vmul.f32 v2, v5;
	_ =	sdelay $0x1  }
0x115: {  	[tilespmem:s6+$0xFFFFFC00] =	vst v2  }
0x116: {  	v2 =	vld.idx.msk [tilespmem:v57+s5+$0x0], $0xffff;
	_ =	sdelay $0x2  }
0x117: {  	v58 =	vor.u32 $0x9, v3;
	_ =	sdelay $0x1  }
0x118: {  	v2 =	vmul.f32 v2, v5;
	_ =	sdelay $0x1  }
0x119: {  	[tilespmem:s6+$0x0] =	vst v2  }
0x11a: {  	v2 =	vld.idx.msk [tilespmem:v58+s5+$0x0], $0xffff;
	_ =	sdelay $0x2  }
0x11b: {  	v59 =	vor.u32 $0xA, v3;
	_ =	sdelay $0x1  }
0x11c: {  	v2 =	vmul.f32 v2, v5;
	_ =	sdelay $0x1  }
0x11d: {  	[tilespmem:s6+$0x400] =	vst v2  }
0x11e: {  	v2 =	vld.idx.msk [tilespmem:v59+s5+$0x0], $0xffff;
	_ =	sdelay $0x2  }
0x11f: {  	v60 =	vor.u32 $0xB, v3;
	_ =	sdelay $0x1  }
0x120: {  	v2 =	vmul.f32 v2, v5;
	_ =	sdelay $0x1  }
0x121: {  	[tilespmem:s6+$0x800] =	vst v2  }
0x122: {  	v2 =	vld.idx.msk [tilespmem:v60+s5+$0x0], $0xffff;
	_ =	sdelay $0x2  }
0x123: {  	v61 =	vor.u32 $0xC, v3;
	_ =	sdelay $0x1  }
0x124: {  	v2 =	vmul.f32 v2, v5;
	_ =	sdelay $0x1  }
0x125: {  	[tilespmem:s6+$0xC00] =	vst v2  }
0x126: {  	v2 =	vld.idx.msk [tilespmem:v61+s5+$0x0], $0xffff;
	_ =	sdelay $0x2  }
0x127: {  	v62 =	vor.u32 $0xD, v3;
	_ =	sdelay $0x1  }
0x128: {  	v2 =	vmul.f32 v2, v5;
	_ =	sdelay $0x1  }
0x129: {  	[tilespmem:s6+$0x1000] =	vst v2  }
0x12a: {  	v2 =	vld.idx.msk [tilespmem:v62+s5+$0x0], $0xffff;
	_ =	sdelay $0x2  }
0x12b: {  	v63 =	vor.u32 $0xE, v3;
	_ =	sdelay $0x1  }
0x12c: {  	v2 =	vmul.f32 v2, v5;
	_ =	sdelay $0x1  }
0x12d: {  	[tilespmem:s6+$0x1400] =	vst v2  }
0x12e: {  	v2 =	vld.idx.msk [tilespmem:v63+s5+$0x0], $0xffff;
	_ =	sdelay $0x2  }
0x12f: {  	v3 =	vor.u32 $0xF, v3;
	_ =	sdelay $0x1  }
0x130: {  	v2 =	vmul.f32 v2, v5;
	_ =	sdelay $0x1  }
0x131: {  	[tilespmem:s6+$0x1800] =	vst v2  }
0x132: {  	v2 =	vld.idx.msk [tilespmem:v3+s5+$0x0], $0xffff;
	_ =	sdelay $0x4  }
0x133: {  	v2 =	vmul.f32 v2, v5;
	_ =	sdelay $0x1  }
0x134: {  	s7 =	sadd.s32 $0x10, s3;
	[tilespmem:s6+$0x1C00] =	vst v2  }
0x135: {  	s8 =	simm.s32 $0x10;
	s11 =	simm.s32 $0x20;
	v2 =	vld [tilespmem:s7+$0x0]  }
.LBB2_12:
0x136: {  	p0 =	sne.s32 s11, $0x3F0;
	_ =	sdelay $0x2  }
0x137: {  	v3 =	vmov s8;
	s8 =	smov.u32 s11  }
0x138: {  	v5 =	vadd.f32 $9.999999930e-09, v2;
	v2 =	vshll.u32 v3, $0x4  }
0x139: {  	v4 =	vor.u32 v1, v2  }
0x13a: {  	v2 =	vor.u32 $0xF, v4;
	(erf) = vrcp.f32 v5;
	_ =	sdelay $0x3  }
0x13b: {  	v5 =	vld.idx.msk [tilespmem:v4+s5+$0x0], $0xffff;
	_ =	sdelay $0x3  }
0x13c: {  	v6 =	vor.u32 $0x1, v4  }
0x13d: {  	v3 =	vpop (erf)  }
0x13e: {  	v5 =	vmul.f32 v3, v5  }
0x13f: {  	s6 =	sadd.s32 $0x10, s6  }
0x140: {  	[tilespmem:s6+$0xFFFFE000] =	vst v5  }
0x141: {  	v5 =	vld.idx.msk [tilespmem:v6+s5+$0x0], $0xffff;
	_ =	sdelay $0x3  }
0x142: {  	v6 =	vor.u32 $0x2, v4;
	_ =	sdelay $0x1  }
0x143: {  	v5 =	vmul.f32 v5, v3;
	_ =	sdelay $0x1  }
0x144: {  	[tilespmem:s6+$0xFFFFE400] =	vst v5  }
0x145: {  	v5 =	vld.idx.msk [tilespmem:v6+s5+$0x0], $0xffff;
	_ =	sdelay $0x3  }
0x146: {  	v6 =	vor.u32 $0x3, v4;
	_ =	sdelay $0x1  }
0x147: {  	v5 =	vmul.f32 v5, v3;
	_ =	sdelay $0x1  }
0x148: {  	[tilespmem:s6+$0xFFFFE800] =	vst v5  }
0x149: {  	v5 =	vld.idx.msk [tilespmem:v6+s5+$0x0], $0xffff;
	_ =	sdelay $0x3  }
0x14a: {  	v6 =	vor.u32 $0x4, v4;
	_ =	sdelay $0x1  }
0x14b: {  	v5 =	vmul.f32 v5, v3;
	_ =	sdelay $0x1  }
0x14c: {  	[tilespmem:s6+$0xFFFFEC00] =	vst v5  }
0x14d: {  	v5 =	vld.idx.msk [tilespmem:v6+s5+$0x0], $0xffff;
	_ =	sdelay $0x3  }
0x14e: {  	v6 =	vor.u32 $0x5, v4;
	_ =	sdelay $0x1  }
0x14f: {  	v5 =	vmul.f32 v5, v3;
	_ =	sdelay $0x1  }
0x150: {  	[tilespmem:s6+$0xFFFFF000] =	vst v5  }
0x151: {  	v5 =	vld.idx.msk [tilespmem:v6+s5+$0x0], $0xffff;
	_ =	sdelay $0x3  }
0x152: {  	v6 =	vor.u32 $0x6, v4;
	_ =	sdelay $0x1  }
0x153: {  	v5 =	vmul.f32 v5, v3;
	_ =	sdelay $0x1  }
0x154: {  	[tilespmem:s6+$0xFFFFF400] =	vst v5  }
0x155: {  	v5 =	vld.idx.msk [tilespmem:v6+s5+$0x0], $0xffff;
	_ =	sdelay $0x3  }
0x156: {  	v6 =	vor.u32 $0x7, v4;
	_ =	sdelay $0x1  }
0x157: {  	v5 =	vmul.f32 v5, v3;
	_ =	sdelay $0x1  }
0x158: {  	[tilespmem:s6+$0xFFFFF800] =	vst v5  }
0x159: {  	v5 =	vld.idx.msk [tilespmem:v6+s5+$0x0], $0xffff;
	_ =	sdelay $0x3  }
0x15a: {  	v6 =	vor.u32 $0x8, v4;
	_ =	sdelay $0x1  }
0x15b: {  	v5 =	vmul.f32 v5, v3;
	_ =	sdelay $0x1  }
0x15c: {  	[tilespmem:s6+$0xFFFFFC00] =	vst v5  }
0x15d: {  	v5 =	vld.idx.msk [tilespmem:v6+s5+$0x0], $0xffff;
	_ =	sdelay $0x3  }
0x15e: {  	v6 =	vor.u32 $0x9, v4;
	_ =	sdelay $0x1  }
0x15f: {  	v5 =	vmul.f32 v5, v3;
	_ =	sdelay $0x1  }
0x160: {  	[tilespmem:s6+$0x0] =	vst v5  }
0x161: {  	v5 =	vld.idx.msk [tilespmem:v6+s5+$0x0], $0xffff;
	_ =	sdelay $0x3  }
0x162: {  	v6 =	vor.u32 $0xA, v4;
	_ =	sdelay $0x1  }
0x163: {  	v5 =	vmul.f32 v5, v3;
	_ =	sdelay $0x1  }
0x164: {  	[tilespmem:s6+$0x400] =	vst v5  }
0x165: {  	v5 =	vld.idx.msk [tilespmem:v6+s5+$0x0], $0xffff;
	_ =	sdelay $0x3  }
0x166: {  	v6 =	vor.u32 $0xB, v4;
	_ =	sdelay $0x1  }
0x167: {  	v5 =	vmul.f32 v5, v3;
	_ =	sdelay $0x1  }
0x168: {  	[tilespmem:s6+$0x800] =	vst v5  }
0x169: {  	v5 =	vld.idx.msk [tilespmem:v6+s5+$0x0], $0xffff;
	_ =	sdelay $0x3  }
0x16a: {  	v6 =	vor.u32 $0xC, v4;
	_ =	sdelay $0x1  }
0x16b: {  	v5 =	vmul.f32 v5, v3;
	_ =	sdelay $0x1  }
0x16c: {  	[tilespmem:s6+$0xC00] =	vst v5  }
0x16d: {  	v5 =	vld.idx.msk [tilespmem:v6+s5+$0x0], $0xffff;
	_ =	sdelay $0x3  }
0x16e: {  	v6 =	vor.u32 $0xD, v4;
	_ =	sdelay $0x1  }
0x16f: {  	v5 =	vmul.f32 v5, v3;
	_ =	sdelay $0x1  }
0x170: {  	[tilespmem:s6+$0x1000] =	vst v5  }
0x171: {  	v5 =	vld.idx.msk [tilespmem:v6+s5+$0x0], $0xffff;
	_ =	sdelay $0x3  }
0x172: {  	v4 =	vor.u32 $0xE, v4;
	_ =	sdelay $0x1  }
0x173: {  	v5 =	vmul.f32 v5, v3;
	_ =	sdelay $0x1  }
0x174: {  	[tilespmem:s6+$0x1400] =	vst v5  }
0x175: {  	v4 =	vld.idx.msk [tilespmem:v4+s5+$0x0], $0xffff;
	_ =	sdelay $0x5  }
0x176: {  	v4 =	vmul.f32 v4, v3;
	_ =	sdelay $0x1  }
0x177: {  	[tilespmem:s6+$0x1800] =	vst v4  }
0x178: {  	v2 =	vld.idx.msk [tilespmem:v2+s5+$0x0], $0xffff;
	_ =	sdelay $0x4  }
.Ltmp4:
0x179: {  	(pc) =	sbr.rel @p0 .LBB2_12-.Ltmp4, $3  }
0x17a: {  	v2 =	vmul.f32 v2, v3;
	_ =	sdelay $0x1  }
0x17b: {  	s7 =	sadd.s32 $0x10, s7;
	[tilespmem:s6+$0x1C00] =	vst v2  }
0x17c: {  	s11 =	sadd.s32 $0x10, s11;
	v2 =	vld [tilespmem:s7+$0x0]  }
0x17d: {  	_ =	sdelay $0x3  }
0x17e: {  	v3 =	vmov s8;
	v2 =	vadd.f32 $9.999999930e-09, v2  }
0x17f: {  	v3 =	vshll.u32 v3, $0x4  }
0x180: {  	v3 =	vor.u32 v1, v3;
	(erf) = vrcp.f32 v2;
	_ =	sdelay $0x4  }
0x181: {  	v2 =	vld.idx.msk [tilespmem:v3+s5+$0x0], $0xffff;
	_ =	sdelay $0x2  }
0x182: {  	v4 =	vor.u32 $0x1, v3  }
0x183: {  	v5 =	vpop (erf)  }
0x184: {  	v2 =	vmul.f32 v5, v2  }
0x185: {  	s6 =	sadd.s32 $0x10, s6  }
0x186: {  	[tilespmem:s6+$0xFFFFE000] =	vst v2  }
0x187: {  	v2 =	vld.idx.msk [tilespmem:v4+s5+$0x0], $0xffff;
	_ =	sdelay $0x2  }
0x188: {  	v51 =	vor.u32 $0x2, v3;
	_ =	sdelay $0x1  }
0x189: {  	v2 =	vmul.f32 v2, v5;
	_ =	sdelay $0x1  }
0x18a: {  	[tilespmem:s6+$0xFFFFE400] =	vst v2  }
0x18b: {  	v2 =	vld.idx.msk [tilespmem:v51+s5+$0x0], $0xffff;
	_ =	sdelay $0x2  }
0x18c: {  	v52 =	vor.u32 $0x3, v3;
	_ =	sdelay $0x1  }
0x18d: {  	v2 =	vmul.f32 v2, v5;
	_ =	sdelay $0x1  }
0x18e: {  	[tilespmem:s6+$0xFFFFE800] =	vst v2  }
0x18f: {  	v2 =	vld.idx.msk [tilespmem:v52+s5+$0x0], $0xffff;
	_ =	sdelay $0x2  }
0x190: {  	v53 =	vor.u32 $0x4, v3;
	_ =	sdelay $0x1  }
0x191: {  	v2 =	vmul.f32 v2, v5;
	_ =	sdelay $0x1  }
0x192: {  	[tilespmem:s6+$0xFFFFEC00] =	vst v2  }
0x193: {  	v2 =	vld.idx.msk [tilespmem:v53+s5+$0x0], $0xffff;
	_ =	sdelay $0x2  }
0x194: {  	v54 =	vor.u32 $0x5, v3;
	_ =	sdelay $0x1  }
0x195: {  	v2 =	vmul.f32 v2, v5;
	_ =	sdelay $0x1  }
0x196: {  	[tilespmem:s6+$0xFFFFF000] =	vst v2  }
0x197: {  	v2 =	vld.idx.msk [tilespmem:v54+s5+$0x0], $0xffff;
	_ =	sdelay $0x2  }
0x198: {  	v55 =	vor.u32 $0x6, v3;
	_ =	sdelay $0x1  }
0x199: {  	v2 =	vmul.f32 v2, v5;
	_ =	sdelay $0x1  }
0x19a: {  	[tilespmem:s6+$0xFFFFF400] =	vst v2  }
0x19b: {  	v2 =	vld.idx.msk [tilespmem:v55+s5+$0x0], $0xffff;
	_ =	sdelay $0x2  }
0x19c: {  	v56 =	vor.u32 $0x7, v3;
	_ =	sdelay $0x1  }
0x19d: {  	v2 =	vmul.f32 v2, v5;
	_ =	sdelay $0x1  }
0x19e: {  	[tilespmem:s6+$0xFFFFF800] =	vst v2  }
0x19f: {  	v2 =	vld.idx.msk [tilespmem:v56+s5+$0x0], $0xffff;
	_ =	sdelay $0x2  }
0x1a0: {  	v57 =	vor.u32 $0x8, v3;
	_ =	sdelay $0x1  }
0x1a1: {  	v2 =	vmul.f32 v2, v5;
	_ =	sdelay $0x1  }
0x1a2: {  	[tilespmem:s6+$0xFFFFFC00] =	vst v2  }
0x1a3: {  	v2 =	vld.idx.msk [tilespmem:v57+s5+$0x0], $0xffff;
	_ =	sdelay $0x2  }
0x1a4: {  	v58 =	vor.u32 $0x9, v3;
	_ =	sdelay $0x1  }
0x1a5: {  	v2 =	vmul.f32 v2, v5;
	_ =	sdelay $0x1  }
0x1a6: {  	[tilespmem:s6+$0x0] =	vst v2  }
0x1a7: {  	v2 =	vld.idx.msk [tilespmem:v58+s5+$0x0], $0xffff;
	_ =	sdelay $0x2  }
0x1a8: {  	v59 =	vor.u32 $0xA, v3;
	_ =	sdelay $0x1  }
0x1a9: {  	v2 =	vmul.f32 v2, v5;
	_ =	sdelay $0x1  }
0x1aa: {  	[tilespmem:s6+$0x400] =	vst v2  }
0x1ab: {  	v2 =	vld.idx.msk [tilespmem:v59+s5+$0x0], $0xffff;
	_ =	sdelay $0x2  }
0x1ac: {  	v60 =	vor.u32 $0xB, v3;
	_ =	sdelay $0x1  }
0x1ad: {  	v2 =	vmul.f32 v2, v5;
	_ =	sdelay $0x1  }
0x1ae: {  	[tilespmem:s6+$0x800] =	vst v2  }
0x1af: {  	v2 =	vld.idx.msk [tilespmem:v60+s5+$0x0], $0xffff;
	_ =	sdelay $0x2  }
0x1b0: {  	v61 =	vor.u32 $0xC, v3;
	_ =	sdelay $0x1  }
0x1b1: {  	v2 =	vmul.f32 v2, v5;
	_ =	sdelay $0x1  }
0x1b2: {  	[tilespmem:s6+$0xC00] =	vst v2  }
0x1b3: {  	v2 =	vld.idx.msk [tilespmem:v61+s5+$0x0], $0xffff;
	_ =	sdelay $0x2  }
0x1b4: {  	v62 =	vor.u32 $0xD, v3;
	_ =	sdelay $0x1  }
0x1b5: {  	v2 =	vmul.f32 v2, v5;
	_ =	sdelay $0x1  }
0x1b6: {  	[tilespmem:s6+$0x1000] =	vst v2  }
0x1b7: {  	v2 =	vld.idx.msk [tilespmem:v62+s5+$0x0], $0xffff;
	_ =	sdelay $0x2  }
0x1b8: {  	v63 =	vor.u32 $0xE, v3;
	_ =	sdelay $0x1  }
0x1b9: {  	v2 =	vmul.f32 v2, v5;
	_ =	sdelay $0x1  }
0x1ba: {  	[tilespmem:s6+$0x1400] =	vst v2  }
0x1bb: {  	v2 =	vld.idx.msk [tilespmem:v63+s5+$0x0], $0xffff;
	_ =	sdelay $0x2  }
0x1bc: {  	v3 =	vor.u32 $0xF, v3;
	_ =	sdelay $0x1  }
0x1bd: {  	v2 =	vmul.f32 v2, v5;
	_ =	sdelay $0x1  }
0x1be: {  	[tilespmem:s6+$0x1800] =	vst v2  }
0x1bf: {  	v2 =	vld.idx.msk [tilespmem:v3+s5+$0x0], $0xffff;
	_ =	sdelay $0x4  }
0x1c0: {  	s4 =	sadd.s32 s1, s4;
	v2 =	vmul.f32 v2, v5  }
0x1c1: {  	s7 =	rddreg [dreg:$0x7];
	s4 =	sshrl.u32 s4, $0x3  }
0x1c2: {  	s8 =	rddreg [dreg:$0xa];
	[tilespmem:s6+$0x1C00] =	vst v2;
	s6 =	sadd.s32 s7, s4;
	s7 =	simm.s32 $0x0  }
0x1c3: {  	[hbm4b:s6+s7] =	stream.linear.scatter [tilespmem:s31], [sflag:$0x1], $0x400, $0x38;
	[tilespmem:$0x1EC00] =	vst v63  }
0x1c4: {  	s11 =	simm.s32 $0x12000;
	s6 =	sadd.s32 s4, s8;
	s8 =	rddreg [dreg:$0xb]  }
0x1c5: {  	[hbm4b:s6+s7] =	stream.linear.scatter [tilespmem:s11], [sflag:$0x1], $0x400, $0x38;
	[tilespmem:$0x1EC00] =	vst v63  }
0x1c6: {  	s6 =	sadd.s32 s4, s8;
	s11 =	simm.s32 $0x12400  }
0x1c7: {  	[hbm4b:s6+s7] =	stream.linear.scatter [tilespmem:s11], [sflag:$0x1], $0x400, $0x38;
	[tilespmem:$0x1EC00] =	vst v63  }
0x1c8: {  	s8 =	sadd.s32 s4, s13;
	s11 =	simm.s32 $0x12800  }
0x1c9: {  	[hbm4b:s8+s7] =	stream.linear.scatter [tilespmem:s11], [sflag:$0x1], $0x400, $0x38;
	[tilespmem:$0x1EC00] =	vst v63  }
0x1ca: {  	s8 =	sadd.s32 s4, s14;
	s11 =	simm.s32 $0x12C00  }
0x1cb: {  	[hbm4b:s8+s7] =	stream.linear.scatter [tilespmem:s11], [sflag:$0x1], $0x400, $0x38;
	[tilespmem:$0x1EC00] =	vst v63  }
0x1cc: {  	s8 =	sadd.s32 s4, s15;
	s11 =	simm.s32 $0x13000  }
0x1cd: {  	[hbm4b:s8+s7] =	stream.linear.scatter [tilespmem:s11], [sflag:$0x1], $0x400, $0x38;
	[tilespmem:$0x1EC00] =	vst v63  }
0x1ce: {  	s8 =	sadd.s32 s4, s16;
	s11 =	simm.s32 $0x13400  }
0x1cf: {  	[hbm4b:s8+s7] =	stream.linear.scatter [tilespmem:s11], [sflag:$0x1], $0x400, $0x38;
	[tilespmem:$0x1EC00] =	vst v63  }
0x1d0: {  	s8 =	sadd.s32 s4, s17;
	s11 =	simm.s32 $0x13800  }
0x1d1: {  	[hbm4b:s8+s7] =	stream.linear.scatter [tilespmem:s11], [sflag:$0x1], $0x400, $0x38;
	[tilespmem:$0x1EC00] =	vst v63  }
0x1d2: {  	s8 =	sadd.s32 s4, s18;
	s11 =	simm.s32 $0x13C00  }
0x1d3: {  	[hbm4b:s8+s7] =	stream.linear.scatter [tilespmem:s11], [sflag:$0x1], $0x400, $0x38;
	[tilespmem:$0x1EC00] =	vst v63  }
0x1d4: {  	s8 =	sadd.s32 s4, s19;
	s11 =	simm.s32 $0x14000  }
0x1d5: {  	[hbm4b:s8+s7] =	stream.linear.scatter [tilespmem:s11], [sflag:$0x1], $0x400, $0x38;
	[tilespmem:$0x1EC00] =	vst v63  }
0x1d6: {  	s8 =	sadd.s32 s4, s20;
	s11 =	simm.s32 $0x14400  }
0x1d7: {  	[hbm4b:s8+s7] =	stream.linear.scatter [tilespmem:s11], [sflag:$0x1], $0x400, $0x38;
	[tilespmem:$0x1EC00] =	vst v63  }
0x1d8: {  	s8 =	sadd.s32 s4, s21;
	s11 =	simm.s32 $0x14800  }
0x1d9: {  	[hbm4b:s8+s7] =	stream.linear.scatter [tilespmem:s11], [sflag:$0x1], $0x400, $0x38;
	[tilespmem:$0x1EC00] =	vst v63  }
0x1da: {  	s8 =	sadd.s32 s4, s22;
	s11 =	simm.s32 $0x14C00  }
0x1db: {  	[hbm4b:s8+s7] =	stream.linear.scatter [tilespmem:s11], [sflag:$0x1], $0x400, $0x38;
	[tilespmem:$0x1EC00] =	vst v63  }
0x1dc: {  	s8 =	sadd.s32 s4, s23;
	s11 =	simm.s32 $0x15000  }
0x1dd: {  	[hbm4b:s8+s7] =	stream.linear.scatter [tilespmem:s11], [sflag:$0x1], $0x400, $0x38;
	[tilespmem:$0x1EC00] =	vst v63  }
0x1de: {  	s8 =	sadd.s32 s4, s24;
	s11 =	simm.s32 $0x15400  }
0x1df: {  	[hbm4b:s8+s7] =	stream.linear.scatter [tilespmem:s11], [sflag:$0x1], $0x400, $0x38;
	[tilespmem:$0x1EC00] =	vst v63  }
0x1e0: {  	s4 =	sadd.s32 s4, s25;
	s11 =	simm.s32 $0x15800  }
0x1e1: {  	[hbm4b:s4+s7] =	stream.linear.scatter [tilespmem:s11], [sflag:$0x1], $0x400, $0x38;
	[tilespmem:$0x1EC00] =	vst v63  }
0x1e2: {  	_ =	swait.ge [sflag:s29], $0x400  }
0x1e3: {  	[sflag:s29] =	ssyncset.done $0x0  }
0x1e4: {  	[sflag:s29] =	ssyncadd.s32 $0xFFFFFC00  }
0x1e5: {  	_ =	swait.ge [sflag:s29], $0x400  }
0x1e6: {  	[sflag:s29] =	ssyncset.done $0x0  }
0x1e7: {  	[sflag:s29] =	ssyncadd.s32 $0xFFFFFC00  }
0x1e8: {  	_ =	swait.ge [sflag:s29], $0x400  }
0x1e9: {  	[sflag:s29] =	ssyncset.done $0x0  }
0x1ea: {  	[sflag:s29] =	ssyncadd.s32 $0xFFFFFC00  }
0x1eb: {  	_ =	swait.ge [sflag:s29], $0x400  }
0x1ec: {  	[sflag:s29] =	ssyncset.done $0x0  }
0x1ed: {  	[sflag:s29] =	ssyncadd.s32 $0xFFFFFC00  }
0x1ee: {  	_ =	swait.ge [sflag:s29], $0x400  }
0x1ef: {  	[sflag:s29] =	ssyncset.done $0x0  }
0x1f0: {  	[sflag:s29] =	ssyncadd.s32 $0xFFFFFC00  }
0x1f1: {  	_ =	swait.ge [sflag:s29], $0x400  }
0x1f2: {  	[sflag:s29] =	ssyncset.done $0x0  }
0x1f3: {  	[sflag:s29] =	ssyncadd.s32 $0xFFFFFC00  }
0x1f4: {  	_ =	swait.ge [sflag:s29], $0x400  }
0x1f5: {  	[sflag:s29] =	ssyncset.done $0x0  }
0x1f6: {  	[sflag:s29] =	ssyncadd.s32 $0xFFFFFC00  }
0x1f7: {  	_ =	swait.ge [sflag:s29], $0x400  }
0x1f8: {  	[sflag:s29] =	ssyncset.done $0x0  }
0x1f9: {  	[sflag:s29] =	ssyncadd.s32 $0xFFFFFC00  }
0x1fa: {  	_ =	swait.ge [sflag:s29], $0x400  }
0x1fb: {  	[sflag:s29] =	ssyncset.done $0x0  }
0x1fc: {  	[sflag:s29] =	ssyncadd.s32 $0xFFFFFC00  }
0x1fd: {  	_ =	swait.ge [sflag:s29], $0x400  }
0x1fe: {  	[sflag:s29] =	ssyncset.done $0x0  }
0x1ff: {  	[sflag:s29] =	ssyncadd.s32 $0xFFFFFC00  }
0x200: {  	_ =	swait.ge [sflag:s29], $0x400  }
0x201: {  	[sflag:s29] =	ssyncset.done $0x0  }
0x202: {  	[sflag:s29] =	ssyncadd.s32 $0xFFFFFC00  }
0x203: {  	_ =	swait.ge [sflag:s29], $0x400  }
0x204: {  	[sflag:s29] =	ssyncset.done $0x0  }
0x205: {  	[sflag:s29] =	ssyncadd.s32 $0xFFFFFC00  }
0x206: {  	_ =	swait.ge [sflag:s29], $0x400  }
0x207: {  	[sflag:s29] =	ssyncset.done $0x0  }
0x208: {  	[sflag:s29] =	ssyncadd.s32 $0xFFFFFC00  }
0x209: {  	_ =	swait.ge [sflag:s29], $0x400  }
0x20a: {  	[sflag:s29] =	ssyncset.done $0x0  }
0x20b: {  	s2 =	sadd.s32 $0x1, s2;
	[sflag:s29] =	ssyncadd.s32 $0xFFFFFC00  }
0x20c: {  	p0 =	sne.s32 s2, $0x4;
	_ =	swait.ge [sflag:s29], $0x400  }
.Ltmp5:
0x20d: {  	[sflag:s29] =	ssyncset.done $0x0;
	(pc) =	sbr.rel @p0 .LBB2_11-.Ltmp5, $4  }
0x20e: {  	[sflag:s29] =	ssyncadd.s32 $0xFFFFFC00  }
0x20f: {  	_ =	swait.ge [sflag:s29], $0x400  }
0x210: {  	[sflag:s29] =	ssyncset.done $0x0  }
0x211: {  	s3 =	sadd.s32 $0x400, s3;
	[sflag:s29] =	ssyncadd.s32 $0xFFFFFC00  }
0x212: {  	s1 =	simm.s32 $0x40;
	s2 =	simm.s32 $0x0  }
.LBB2_15:
0x213: {  	p0 =	sne.s32 s1, $0xFFC0;
	[tilespmem:s2+$0x19C00] =	vst v0;
	s2 =	smov.u32 s1;
	s1 =	sadd.s32 $0x40, s1  }
.Ltmp6:
0x214: {  	(pc) =	sbr.rel @p0 .LBB2_15-.Ltmp6, $2  }
0x215: {  	_ =	sdelay $0x2  }
0x216: {  	s2 =	sshra.s32 s2, $0x2  }
0x217: {  	[tilespmem:s2+$0x19C00] =	vst v0;
	s1 =	simm.s32 $0x40;
	s2 =	simm.s32 $0x0;
	s3 =	rddreg [dreg:$0x12]  }
.LBB2_17:
0x218: {  	p0 =	sne.s32 s1, $0x3FC0;
	[tilespmem:s2+$0x1DC00] =	vst v0;
	s2 =	smov.u32 s1;
	s1 =	sadd.s32 $0x40, s1  }
.Ltmp7:
0x219: {  	(pc) =	sbr.rel @p0 .LBB2_17-.Ltmp7, $2  }
0x21a: {  	_ =	sdelay $0x2  }
0x21b: {  	s2 =	sshra.s32 s2, $0x2  }
0x21c: {  	s3 =	sadd.s32 $0x1, s3  }
0x21d: {  	p0 =	sne.s32 s3, $0x8  }
.Ltmp8:
0x21e: {  	_ = 	snop;
	(pc) =	sbr.rel @p0 .LBB2_6-.Ltmp8, $3  }
0x21f: {  	_ = 	snop  }
0x220: {  	[tilespmem:s2+$0x1DC00] =	vst v0  }
0x221: {  	[bflag:$0x0] =	sbarrier.arrive $0xFFFF;
	_ =	sdelay $0x1  }
0x222: {  	s2 =	rddreg [dreg:$0x11]  }
0x223: {  	s1 =	rddreg [dreg:$0xc];
	s2 =	sadd.s32 $0x1, s2  }
0x224: {  	p0 =	sne.s32 s2, s1  }
.Ltmp9:
0x225: {  	_ = 	snop;
	(pc) =	sbr.rel @p0 .LBB2_1-.Ltmp9, $1  }
0x226: {  	_ =	sdelay $0x3  }
0x227: {  	_ =	sfence.sel $0x180000  }
0x228: {  	[bflag:$0x0] =	sbarrier.arrive $0xFFFF  }
0x229: {  	_ =	strace $0x9000004A  }
0x22a: {  	s0 =	stileid.u32;
	[bflag:$0x2] =	sbarrier.arrive $0xFFFF  }
0x22b: {  	p0 =	sne.s32 s0, $0x0;
	s0 =	rddreg [dreg:$0x4]  }
0x22c: {  	s0 =	sadd.s32 @!p0 $0x100000, s0  }
0x22d: {  	[sflag:s0] =	ssyncadd.tile.s32 @!p0 $0x1;
	_ =	shalt  }
.Lfunc_end2:
_tile_overlayer_lowered:
.L_overlay_start_2:
0x22e: {  	(tag) =	ssettag $0x2  }
0x22f: {  	s0 =	rddreg [dreg:$0x0];
	s2 =	stileid.u32  }
0x230: {  	s1 =	rddreg [dreg:$0x1];
	p0 =	sne.s32 s2, $0x0  }
0x231: {  	s3 =	rddreg [dreg:$0x2];
	[bflag:$0x3] =	sbarrier.arrive $0xFFFF;
	s2 =	simm.s32 @!p0 $0x1C02  }
0x232: {  	[timem:s3], [sflag:s2] =	dma.local @!p0 [hbm:s0], s1  }
0x233: {  	s0 =	simm.s32 @!p0 $0x2  }
0x234: {  	_ =	swait.ge @!p0 [sflag:s0], s1  }
0x235: {  	s1 =	ssub.s32 @!p0 $0x0, s1;
	[sflag:s0] =	ssyncset.done @!p0 $0x0  }
0x236: {  	[sflag:s0] =	ssyncadd.s32 @!p0 s1  }
0x237: {  	[bflag:$0x3] =	sbarrier.arrive $0xFFFF  }
0x238: {  	_ =	shalt  }

// kernel: sparse-core-data-format-call.cloned.1.call-start
scs
called_computation_lowered:
.L_overlay_start_0:
0x0: {  	s2 =	sld [smem:$0x3FD9]  }
0x1: {  	s3 =	sld [smem:$0x3FFE];
	_ =	sdelay $0x1  }
0x2: {  	s1 =	srdreg.scid  }
0x3: {  	s0 =	sand.u32 $0x1, s1  }
0x4: {  	s19 =	sshll.u32 s0, $0xA;
	s2 =	sadd.s32 s3, s2  }
0x5: {  	s2 =	sadd.s32 s2, s19  }
0x6: {  	[smem:$0x3FC1] =	sst s2  }
0x7: {  	_ = 	snop  }
0x8: {  	s2 =	sld [smem:$0x3FC8]  }
0x9: {  	s20 =	sld [smem:$0x3FD0];
	(tm) =	ssettm $0x1  }
0xa: {  	s4 =	sld [smem:$0x3FFB];
	_ =	sdelay $0x3  }
0xb: {  	_ =	strace s4  }
0xc: {  	s4 =	sld [smem:$0x3FFC];
	_ =	sdelay $0x3  }
0xd: {  	_ =	strace s4  }
0xe: {  	s4 =	sld [smem:$0x3FFD];
	_ =	sdelay $0x3  }
0xf: {  	_ =	strace s4  }
0x10: {  	_ =	strace $0x8FFFFFFF  }
0x11: {  	s21 =	sld [smem:$0x3FDB];
	_ =	sdelay $0x1  }
0x12: {  	s5 =	simm.s32 $_scs_section_size  }
0x13: {  	s6 =	simm.s32 $_size__tile_overlayer_lowered;
	s7 =	simm.s32 $_tile_overlayer_lowered  }
0x14: {  	s24 =	simm.s32 $0x1BFF;
	s23 =	sshll.u32 s7, $0x1;
	s4 =	sadd.s32 s5, s21  }
0x15: {  	s8 =	simm.s32 $0x0;
	s22 =	sshll.u32 s6, $0x1;
	s6 =	sadd.s32 s23, s4  }
0x16: {  	[timem:s8], [sflag:s24] =	dma.local [hbm:s6], s22  }
0x17: {  	_ =	swait.ge [sflag:s24], s22  }
0x18: {  	s5 =	ssub.s32 $0x0, s22;
	[sflag:s24] =	ssyncset.done $0x0  }
0x19: {  	[sflag:s24] =	ssyncadd.s32 s5;
	_ =	sdelay $0x1  }
0x1a: {  	s25 =	simm.s32 $0x1B8B  }
0x1b: {  	_ =	swait.ge [sflag:s25], $0x1  }
0x1c: {  	[sflag:s25] =	ssyncset.done $0x0  }
0x1d: {  	s26 =	simm.s32 $0x1B8E;
	[sflag:s25] =	ssyncadd.s32 $0xFFFFFFFF  }
0x1e: {  	s27 =	simm.s32 $execute0_lowered;
	[smem:$0x3FD2] =	sst s26  }
0x1f: {  	s5 =	sshll.u32 s27, $0x1;
	_ =	strace $0x80000046;
	[dreg:$0x1] =	wrdreg $0xFFFFFFFF  }
0x20: {  	s28 =	simm.s32 $_size_execute0_lowered;
	s4 =	sadd.s32 s4, s5;
	[dreg:$0x0] =	wrdreg $0x0  }
0x21: {  	s5 =	sshll.u32 s28, $0x1;
	[dreg:$0x2] =	wrdreg s4  }
0x22: {  	[dreg:$0x3] =	wrdreg s5  }
0x23: {  	[dreg:$0x4] =	wrdreg $0xC0  }
0x24: {  	_ =	task [dreg:s8], $0x5FFFF  }
0x25: {  	[dreg:$0x1] =	wrdreg $0xFFFFFFFF  }
0x26: {  	[dreg:$0x0] =	wrdreg $0x60  }
0x27: {  	[dreg:$0x2] =	wrdreg s2  }
0x28: {  	[dreg:$0x3] =	wrdreg s20  }
0x29: {  	[dreg:$0x4] =	wrdreg $0x9  }
0x2a: {  	_ =	task.clear_ibuf [dreg:s8], $0x5FFFF;
	_ =	strace $0x90000046  }
0x2b: {  	s29 =	simm.s32 $0x9;
	_ =	strace $0x80000048  }
0x2c: {  	_ =	swait.ge [sflag:s29], $0x1  }
0x2d: {  	[sflag:s29] =	ssyncadd.s32 $0xFFFFFFFF  }
0x2e: {  	_ =	strace $0x90000048  }
0x2f: {  	_ =	sfence  }
0x30: {  	s30 =	sld [smem:$0x0];
	_ =	sdelay $0x2  }
0x31: {  	s31 =	sshll.u32 s1, $0xD;
	s1 =	sshrl.u32 s1, $0x2  }
0x32: {  	s3 =	sand.u32 $0x4000, s31;
	s1 =	sadd.s32 s1, s30  }
0x33: {  	s0 =	sor.u32 s3, s0;
	s1 =	sshll.u32 s1, $0x11  }
0x34: {  	s0 =	sor.u32 s1, s0  }
0x35: {  	s0 =	sadd.s32 $0x8F2B, s0  }
0x36: {  	[sflag:s0] =	ssyncadd.remote.s32 $0x1  }
0x37: {  	_ =	sfence.sel $0xFFFF  }
0x38: {  	[dreg:$0x0] =	wrdreg $0xFFFFFFFF;
	(pc) =	sbr.abs _section_cstart, $3  }
0x39: {  	[dreg:$0x1] =	wrdreg $0xFFFFFFFF  }
0x3a: {  	_ =	task.clear_ibuf [dreg:s8], $0x2FFFF;
	_ =	strace $0x9FFFFFFF  }
0x3b: {  	(tm) =	ssettm $0x7FFFFFFF  }
tec
execute0_lowered:
.L_overlay_start_1:
0x0: {  	(tag) =	ssettag $0x1  }
0x1: {  	s0 =	srdreg.scid  }
0x2: {  	s1 =	sshll.u32 s0, $0x4  }
0x3: {  	s2 =	rddreg [dreg:$0x0];
	s0 =	stileid.u32;
	s1 =	sand.u32 $0x10, s1  }
0x4: {  	s4 =	rddreg [dreg:$0x1];
	s1 =	sor.u32 s0, s1  }
0x5: {  	s7 =	simm.s32 $0x1;
	s8 =	simm.s32 $0x2;
	s3 =	sshll.u32 s1, $0x3  }
0x6: {  	s9 =	simm.s32 $0x0;
	s12 =	simm.s32 $0x0;
	s6 =	ssub.s32 $0x2000, s3  }
.Ltmp0:
0x7: {  	s11 =	simm.s32 $0x0;
	s5 =	sand.u32 $0xF8, s6;
	(pc) =	sbr.rel .LBB1_1-.Ltmp0, $4  }
0x8: {  	s1 =	rddreg [dreg:$0x2];
	_ =	strace $0x80000047;
	p0 =	sne.s32 s5, $0x0  }
0x9: {  	s6 =	sshrl.u32 s6, $0x8;
	s5 =	simm.s32 $0x1;
	s7 =	simm.s32 @!p0 $0x0  }
0xa: {  	s10 =	smov.u32 s3;
	[sflag:s5] =	ssyncpa.u1 $0x0;
	s6 =	sadd.s32 s7, s6  }
0xb: {  	[sflag:s8] =	ssyncpa.u1 $0x0;
	s8 =	simm.s32 $0x0;
	s7 =	sadd.s32 $0x1, s6  }
.LBB1_9:
0xc: {  	s14 =	sadd.s32 $0x100, s10  }
0xd: {  	p1 =	sgt.s32 s14, $0x1FFF  }
0xe: {  	s14 =	smov.u32 @p1 s3;
	p1 =	sne.s32 s11, s7  }
.Ltmp1:
0xf: {  	p0 =	slt.u32 s11, $0x2;
	(pc) =	sbr.rel @!p1 .LBB1_10-.Ltmp1, $4  }
0x10: {  	s13 =	simm.s32 @!p0 $0x2  }
0x11: {  	s15 =	sadd.s32 $0x1, s11;
	_ =	swait.ge @!p0 [sflag:s13], $0x4000  }
0x12: {  	s12 =	smov.u32 s10;
	s9 =	sadd.s32 $0x4000, s9;
	[sflag:s13] =	ssyncset.done @!p0 $0x0  }
0x13: {  	s11 =	smov.u32 s15;
	s10 =	smov.u32 s14;
	[sflag:s13] =	ssyncadd.s32 @!p0 $0xFFFFC000  }
.LBB1_1:
0x14: {  	p0 =	sge.u32 s11, s6  }
0x15: {  	s13 =	sxor.u32 @!p0 $0xFFFFFFFF, s11  }
0x16: {  	s31 =	sadd.s32 $0xFFFFFFFF, s11;
	s14 =	sshll.u32 @!p0 s10, $0x8;
	s13 =	sshll.u32 @!p0 s13, $0xE  }
0x17: {  	s15 =	simm.s32 @!p0 $0x0;
	s14 =	sadd.s32 @!p0 s2, s14;
	s13 =	sand.u32 @!p0 $0x4000, s13  }
0x18: {  	[tilespmem:s13], [sflag:$0x1] =	stream.linear.gather @!p0 [hbm4b:s14+s15], $0x4000, $0x38;
	[tilespmem:$0x10000] =	vst v63  }
0x19: {  	p0 =	sge.u32 s31, s6  }
.Ltmp2:
0x1a: {  	_ = 	snop;
	(pc) =	sbr.rel @p0 .LBB1_9-.Ltmp2, $1  }
0x1b: {  	_ =	sdelay $0x3  }
0x1c: {  	s13 =	sshll.u32 s9, $0x2;
	_ =	swait.ge [sflag:s5], $0x4000;
	s14 =	sshll.u32 s11, $0xE  }
0x1d: {  	s16 =	simm.s32 $0x0;
	s17 =	simm.s32 $0x0;
	s15 =	sand.u32 $0x10000, s13  }
0x1e: {  	[sflag:s5] =	ssyncset.done $0x0;
	s31 =	sand.u32 $0x4000, s14;
	s14 =	sshrl.u32 s15, $0x2  }
0x1f: {  	[sflag:s5] =	ssyncadd.s32 $0xFFFFC000;
	s13 =	sor.u32 $0x8000, s31;
	s15 =	sor.u32 $0x8000, s14  }
.LBB1_3:
0x20: {  	s18 =	sshra.s32 s16, $0x2  }
0x21: {  	v0 =	vmov s18;
	_ =	sdelay $0x3  }
0x22: {  	p1 =	por $0x1, $0x1;
	s18 =	simm.s32 $0x0  }
.LBB1_4:
0x23: {  	_ = 	snop  }
0x24: {  	s19 =	sshll.u32 s18, $0xA  }
0x25: {  	s19 =	sand.u32 $0x3FFFFC00, s19  }
0x26: {  	s19 =	sadd.s32 s19, s14  }
0x27: {  	v5 =	vld.idx.msk [tilespmem:v0+s19+$0x70 ss:$0x1], $0xffff  }
0x28: {  	v6 =	vld.idx.msk [tilespmem:v0+s19+$0x10 ss:$0x1], $0xffff  }
0x29: {  	v7 =	vld.idx.msk [tilespmem:v0+s19+$0x20 ss:$0x1], $0xffff  }
0x2a: {  	s31 =	sshll.u32 s18, $0x7;
	v1 =	vld.idx.msk [tilespmem:v0+s19+$0x30 ss:$0x1], $0xffff  }
0x2b: {  	s18 =	sand.u32 $0x3FFFFF80, s31;
	v2 =	vld.idx.msk [tilespmem:v0+s19+$0x40 ss:$0x1], $0xffff  }
0x2c: {  	s18 =	sadd.s32 s18, s15;
	v3 =	vld.idx.msk [tilespmem:v0+s19+$0x50 ss:$0x1], $0xffff  }
0x2d: {  	v4 =	vld.idx.msk [tilespmem:v0+s19+$0x60 ss:$0x1], $0xffff;
	[tilespmem:v0+s18+$0x70 ss:$0x1] =	vst.idx.msk $0xffff, v5  }
0x2e: {  	v5 =	vld.idx.msk [tilespmem:v0+s19+$0x0 ss:$0x1], $0xffff;
	[tilespmem:v0+s18+$0x10 ss:$0x1] =	vst.idx.msk $0xffff, v6;
	s19 =	sadd.s32 $0x80, s19  }
0x2f: {  	p0 =	por p1, p1;
	s20 =	simm.s32 $0x6;
	[tilespmem:v0+s18+$0x20 ss:$0x1] =	vst.idx.msk $0xffff, v7;
	v6 =	vld.idx.msk [tilespmem:v0+s19+$0x70 ss:$0x1], $0xffff  }
.LBB1_5:
0x30: {  	p1 =	sne.s32 s20, $0x1;
	v7 =	vld.idx.msk [tilespmem:v0+s19+$0x10 ss:$0x1], $0xffff;
	[tilespmem:v0+s18+$0x30 ss:$0x1] =	vst.idx.msk $0xffff, v1  }
0x31: {  	v8 =	vld.idx.msk [tilespmem:v0+s19+$0x20 ss:$0x1], $0xffff;
	[tilespmem:v0+s18+$0x40 ss:$0x1] =	vst.idx.msk $0xffff, v2  }
0x32: {  	v1 =	vld.idx.msk [tilespmem:v0+s19+$0x30 ss:$0x1], $0xffff;
	[tilespmem:v0+s18+$0x50 ss:$0x1] =	vst.idx.msk $0xffff, v3  }
.Ltmp3:
0x33: {  	v2 =	vld.idx.msk [tilespmem:v0+s19+$0x40 ss:$0x1], $0xffff;
	[tilespmem:v0+s18+$0x60 ss:$0x1] =	vst.idx.msk $0xffff, v4;
	(pc) =	sbr.rel @p1 .LBB1_5-.Ltmp3, $4  }
0x34: {  	v3 =	vld.idx.msk [tilespmem:v0+s19+$0x50 ss:$0x1], $0xffff;
	[tilespmem:v0+s18+$0x0 ss:$0x1] =	vst.idx.msk $0xffff, v5;
	s18 =	sadd.s32 $0x100, s18  }
0x35: {  	v4 =	vld.idx.msk [tilespmem:v0+s19+$0x60 ss:$0x1], $0xffff;
	[tilespmem:v0+s18+$0x70 ss:$0x1] =	vst.idx.msk $0xffff, v6  }
0x36: {  	v5 =	vld.idx.msk [tilespmem:v0+s19+$0x0 ss:$0x1], $0xffff;
	[tilespmem:v0+s18+$0x10 ss:$0x1] =	vst.idx.msk $0xffff, v7;
	s19 =	sadd.s32 $0x80, s19  }
0x37: {  	s20 =	sadd.s32 $0xFFFFFFFF, s20;
	v6 =	vld.idx.msk [tilespmem:v0+s19+$0x70 ss:$0x1], $0xffff;
	[tilespmem:v0+s18+$0x20 ss:$0x1] =	vst.idx.msk $0xffff, v8  }
0x38: {  	_ =	sdelay $0x3  }
0x39: {  	[tilespmem:v0+s18+$0x30 ss:$0x1] =	vst.idx.msk $0xffff, v1  }
0x3a: {  	v1 =	vld.idx.msk [tilespmem:v0+s19+$0x10 ss:$0x1], $0xffff;
	[tilespmem:v0+s18+$0x40 ss:$0x1] =	vst.idx.msk $0xffff, v2  }
0x3b: {  	v2 =	vld.idx.msk [tilespmem:v0+s19+$0x20 ss:$0x1], $0xffff;
	[tilespmem:v0+s18+$0x50 ss:$0x1] =	vst.idx.msk $0xffff, v3  }
0x3c: {  	v61 =	vld.idx.msk [tilespmem:v0+s19+$0x40 ss:$0x1], $0xffff;
	[tilespmem:v0+s18+$0x60 ss:$0x1] =	vst.idx.msk $0xffff, v4  }
0x3d: {  	s31 =	sadd.s32 $0x100, s18;
	v62 =	vld.idx.msk [tilespmem:v0+s19+$0x50 ss:$0x1], $0xffff;
	[tilespmem:v0+s18+$0x0 ss:$0x1] =	vst.idx.msk $0xffff, v5  }
0x3e: {  	v63 =	vld.idx.msk [tilespmem:v0+s19+$0x60 ss:$0x1], $0xffff;
	[tilespmem:v0+s31+$0x70 ss:$0x1] =	vst.idx.msk $0xffff, v6  }
0x3f: {  	v3 =	vld.idx.msk [tilespmem:v0+s19+$0x30 ss:$0x1], $0xffff;
	[tilespmem:v0+s31+$0x10 ss:$0x1] =	vst.idx.msk $0xffff, v1  }
0x40: {  	v1 =	vld.idx.msk [tilespmem:v0+s19+$0x0 ss:$0x1], $0xffff;
	[tilespmem:v0+s31+$0x20 ss:$0x1] =	vst.idx.msk $0xffff, v2  }
.Ltmp4:
0x41: {  	[tilespmem:v0+s31+$0x40 ss:$0x1] =	vst.idx.msk $0xffff, v61;
	(pc) =	sbr.rel @p0 .LBB1_4-.Ltmp4, $4  }
0x42: {  	[tilespmem:v0+s31+$0x50 ss:$0x1] =	vst.idx.msk $0xffff, v62  }
0x43: {  	[tilespmem:v0+s31+$0x60 ss:$0x1] =	vst.idx.msk $0xffff, v63  }
0x44: {  	[tilespmem:v0+s31+$0x30 ss:$0x1] =	vst.idx.msk $0xffff, v3  }
0x45: {  	p1 =	por $0x0, $0x0;
	s18 =	simm.s32 $0x1;
	[tilespmem:v0+s31+$0x0 ss:$0x1] =	vst.idx.msk $0xffff, v1  }
0x46: {  	s17 =	sadd.s32 $0x1, s17  }
0x47: {  	p0 =	sne.s32 s17, $0x8  }
.Ltmp5:
0x48: {  	_ = 	snop;
	(pc) =	sbr.rel @p0 .LBB1_3-.Ltmp5, $2  }
0x49: {  	_ =	sdelay $0x2  }
0x4a: {  	s16 =	sadd.s32 $0x2000, s16  }
.Ltmp6:
0x4b: {  	(pc) =	sbr.rel .LBB1_9-.Ltmp6, $4  }
0x4c: {  	_ = 	snop  }
0x4d: {  	s12 =	sshll.u32 s12, $0x8  }
0x4e: {  	s12 =	sadd.s32 s4, s12  }
0x4f: {  	[hbm4b:s12+s8] =	stream.linear.scatter [tilespmem:s13], [sflag:$0x2], $0x4000, $0x38;
	[tilespmem:$0x10000] =	vst v63  }
.LBB1_10:
0x50: {  	_ =	sfence.sel $0x180000  }
0x51: {  	s2 =	simm.s32 $0x1;
	[bflag:$0x0] =	sbarrier.arrive $0xFFFF  }
0x52: {  	s31 =	simm.s32 $0x2;
	[sflag:s2] =	ssyncpa.u1 $0x1  }
0x53: {  	[sflag:s31] =	ssyncpa.u1 $0x1  }
0x54: {  	p0 =	sne.s32 s0, $0x0;
	_ =	strace $0x90000047  }
0x55: {  	s0 =	sadd.s32 @!p0 $0x100000, s1;
	[bflag:$0x2] =	sbarrier.arrive $0xFFFF  }
0x56: {  	[sflag:s0] =	ssyncadd.tile.s32 @!p0 $0x1;
	_ =	shalt  }
.Lfunc_end1:
_tile_overlayer_lowered:
.L_overlay_start_2:
0x57: {  	(tag) =	ssettag $0x2  }
0x58: {  	s0 =	rddreg [dreg:$0x0];
	s2 =	stileid.u32  }
0x59: {  	s1 =	rddreg [dreg:$0x1];
	p0 =	sne.s32 s2, $0x0  }
0x5a: {  	s3 =	rddreg [dreg:$0x2];
	[bflag:$0x3] =	sbarrier.arrive $0xFFFF;
	s2 =	simm.s32 @!p0 $0x1C01  }
0x5b: {  	[timem:s3], [sflag:s2] =	dma.local @!p0 [hbm:s0], s1  }
0x5c: {  	s0 =	simm.s32 @!p0 $0x1  }
0x5d: {  	_ =	swait.ge @!p0 [sflag:s0], s1  }
0x5e: {  	s1 =	ssub.s32 @!p0 $0x0, s1;
	[sflag:s0] =	ssyncset.done @!p0 $0x0  }
0x5f: {  	[sflag:s0] =	ssyncadd.s32 @!p0 s1  }
0x60: {  	[bflag:$0x3] =	sbarrier.arrive $0xFFFF  }
0x61: {  	_ =	shalt  }

</sc_bundles>
